<compile_context>
chip_gen: v7x
topology: tpu7x:2x2x1
jax: 0.10.2.dev20260603
libtpu: 0.0.44.dev20260713+nightly
codegen_flags: <defaults>
</compile_context>

<pallas_src>
import functools

import jax
import jax.numpy as jnp
from jax import lax
from jax.experimental import pallas as pl
from jax.experimental.pallas import tpu as pltpu
from jax.experimental.pallas import tpu_sc as plsc

R = 1024
V = 100000
NC = 2
NS = 16
NW = NC * NS
RPW = R // NW
NG = RPW // 8
VMAIN = 99968
VTAIL = V - VMAIN
CW = 1408
NCHUNK = VMAIN // CW
VPR = CW // 16
NT = NG * NCHUNK
BIG = 1 << 30

_mesh = plsc.VectorSubcoreMesh(
    core_axis_name="c", subcore_axis_name="s", num_cores=NC, num_subcores=NS)


@functools.partial(
    pl.kernel,
    out_type=jax.ShapeDtypeStruct((R,), jnp.int32),
    mesh=_mesh,
    scratch_types=[
        pltpu.VMEM((2, 8, CW), jnp.float32),
        pltpu.VMEM((NG, 8, VTAIL), jnp.float32),
        pltpu.VMEM((RPW,), jnp.int32),
        pltpu.SemaphoreType.DMA,
        pltpu.SemaphoreType.DMA,
        pltpu.SemaphoreType.DMA,
    ],
    compiler_params=pltpu.CompilerParams(needs_layout_passes=False),
)
def _argmax_sc(x_hbm, out_hbm, buf, tails, res, sem0, sem1, sem2):
    wid = lax.axis_index("s") * NC + lax.axis_index("c")
    row0 = wid * RPW
    sems = (sem0, sem1)

    neg_inf = jnp.full((16,), -jnp.inf, dtype=jnp.float32)
    zeros = jnp.zeros((16,), dtype=jnp.int32)
    lane = lax.broadcasted_iota(jnp.int32, (16,), 0)

    for g in range(NG):
        pltpu.async_copy(
            x_hbm.at[pl.ds(row0 + g * 8, 8), pl.ds(VMAIN, VTAIL)],
            tails.at[g], sem2)
    for g in range(NG):
        pltpu.make_async_copy(
            x_hbm.at[pl.ds(row0 + g * 8, 8), pl.ds(VMAIN, VTAIL)],
            tails.at[g], sem2).wait()

    pltpu.async_copy(
        x_hbm.at[pl.ds(row0, 8), pl.ds(0, CW)], buf.at[0], sem0)
    pltpu.async_copy(
        x_hbm.at[pl.ds(row0, 8), pl.ds(CW, CW)], buf.at[1], sem1)

    def pair_body(_, carry):
        mvs, ivs, grp, c, pgrp, pc = carry
        for b in range(2):
            first = c == 0
            mvs = tuple(jnp.where(first, neg_inf, mv) for mv in mvs)
            ivs = tuple(jnp.where(first, zeros, iv) for iv in ivs)

            pltpu.make_async_copy(
                x_hbm.at[pl.ds(row0, 8), pl.ds(0, CW)],
                buf.at[b], sems[b]).wait()

            base = c * VPR

            def vec_body(j2, vc):
                mv, iv = vc
                mv = list(mv)
                iv = list(iv)
                for u in range(2):
                    j = j2 * 2 + u
                    vid = base + j
                    for r in range(8):
                        v = buf[b, r, pl.ds(j * 16, 16)]
                        upd = v > mv[r]
                        mv[r] = jnp.where(upd, v, mv[r])
                        iv[r] = jnp.where(
                            upd, jnp.full((16,), vid, dtype=jnp.int32), iv[r])
                return (tuple(mv), tuple(iv))

            mvs, ivs = lax.fori_loop(0, VPR // 2, vec_body, (mvs, ivs))

            @pl.when(pgrp < NG)
            def _():
                pltpu.async_copy(
                    x_hbm.at[pl.ds(row0 + pgrp * 8, 8), pl.ds(pc * CW, CW)],
                    buf.at[b], sems[b])

            @pl.when(c == NCHUNK - 1)
            def _():
                seg_off = jnp.where(grp >= 2, jnp.int32(16), jnp.int32(0))
                seg = res[pl.ds(seg_off, 16)]
                lane8 = jnp.where((grp & jnp.int32(1)) == 1,
                                  jnp.int32(8), jnp.int32(0))
                for r in range(8):
                    mv, iv = mvs[r], ivs[r]
                    for t in range(2):
                        v = tails[grp, r, pl.ds(t * 16, 16)]
                        vid = jnp.full((16,), VMAIN // 16 + t, jnp.int32)
                        upd = v > mv
                        mv = jnp.where(upd, v, mv)
                        iv = jnp.where(upd, vid, iv)
                    m = jnp.max(mv)
                    full = iv * 16 + lane
                    cand = jnp.where(mv == m, full, jnp.int32(BIG))
                    best = jnp.min(cand)
                    seg = jnp.where(lane == lane8 + r,
                                    jnp.full((16,), best, dtype=jnp.int32),
                                    seg)
                res[pl.ds(seg_off, 16)] = seg

            one = jnp.int32(1)
            zero = jnp.int32(0)
            c1 = c + one
            wrap = c1 == NCHUNK
            c = jnp.where(wrap, zero, c1)
            grp = grp + jnp.where(wrap, one, zero)
            pc1 = pc + one
            pwrap = pc1 == NCHUNK
            pc = jnp.where(pwrap, zero, pc1)
            pgrp = pgrp + jnp.where(pwrap, one, zero)
        return (mvs, ivs, grp, c, pgrp, pc)

    init_mvs = tuple(neg_inf for _ in range(8))
    init_ivs = tuple(zeros for _ in range(8))
    lax.fori_loop(
        0, NT // 2, pair_body,
        (init_mvs, init_ivs, jnp.int32(0), jnp.int32(0), jnp.int32(0),
         jnp.int32(2)))

    pltpu.sync_copy(res, out_hbm.at[pl.ds(row0, RPW)])


def kernel(inputs):
    return _argmax_sc(inputs)

# --- scband reference (transcript-rebuilt; emitter-appended) ---
"""Pipeline reference for scband-argmax-layer-23802708755245 (READ-ONLY COPY).

The authoritative reference and input builder live on the scoring server;
editing this copy changes nothing except your own understanding.
"""

import jax, jax.numpy as jnp
import numpy as np

def setup_inputs(seed: int = 0) -> dict:
    key = jax.random.key(seed)
    x = jax.random.normal(key, (1024, 100000), dtype=jnp.float32)
    return {"inputs": x}

def reference(inputs):
    # Faithful translation of tf.argmax(inputs, axis=1, output_type=tf.int32)
    return jnp.argmax(inputs, axis=1).astype(jnp.int32)

if __name__ == "__main__":
    import jax
    _d = setup_inputs()
    print(jax.jit(kernel)(*tuple(_d.values())))

</pallas_src>

<mosaic_0001>
#map = affine_map<(d0, d1) -> (0, 0)>
#map1 = affine_map<(d0, d1) -> (0)>
module attributes {stable_mosaic.version = 14 : i64} {
  func.func @_argmax_sc(%arg0: i32, %arg1: i32, %arg2: memref<1024x100000xf32, #tpu.memory_space<hbm>>, %arg3: memref<1024xi32, #tpu.memory_space<hbm>>, %arg4: memref<2x8x1408xf32, #tpu.memory_space<vmem>>, %arg5: memref<4x8x32xf32, #tpu.memory_space<vmem>>, %arg6: memref<32xi32, #tpu.memory_space<vmem>>, %arg7: memref<!tpu.dma_semaphore, #tpu.memory_space<semaphore_mem>>, %arg8: memref<!tpu.dma_semaphore, #tpu.memory_space<semaphore_mem>>, %arg9: memref<!tpu.dma_semaphore, #tpu.memory_space<semaphore_mem>>) attributes {dimension_semantics = [#tpu.dimension_semantics<core_parallel>, #tpu.dimension_semantics<subcore_parallel>], iteration_bounds = array<i64: 2, 16>, scalar_prefetch = 0 : i64, scratch_operands = 6 : i64, tpu.core_type = #tpu.core_type<sc_vector_subcore>, window_params = [{transform_indices = #map}, {transform_indices = #map1}]} {
    %mul3A = arith.constant 2 : i32
    %mul3A_0 = arith.muli %arg1, %mul3A : i32
    %add3A = arith.addi %mul3A_0, %arg0 : i32
    %mul3A_1 = arith.constant 32 : i32
    %mul3A_2 = arith.muli %add3A, %mul3A_1 : i32
    %broadcast_in_dim3A = arith.constant 0xFF800000 : f32
    %broadcast_in_dim3A_3 = vector.broadcast %broadcast_in_dim3A : f32 to vector<16xf32>
    %broadcast_in_dim3A_4 = arith.constant 0 : i32
    %broadcast_in_dim3A_5 = vector.broadcast %broadcast_in_dim3A_4 : i32 to vector<16xi32>
    %iota3A = tpu.iota {dimensions = array<i32: 0>} : vector<16xi32>
    %add3A_6 = arith.constant 0 : i32
    %add3A_7 = arith.addi %mul3A_2, %add3A_6 : i32
    %dma_start3A = arith.constant 0 : i32
    %dma_start3A_8 = arith.constant 0 : i32
    %dma_start3A_9 = arith.constant 0 : i32
    %dma_start3A_10 = tpu.memref_slice %arg5[%dma_start3A, %dma_start3A_8, %dma_start3A_9] : memref<4x8x32xf32, #tpu.memory_space<vmem>> -> memref<1x8x32xf32, #tpu.memory_space<vmem>>
    %dma_start3A_11 = tpu.memref_squeeze %dma_start3A_10 : memref<1x8x32xf32, #tpu.memory_space<vmem>> -> memref<8x32xf32, #tpu.memory_space<vmem>>
    %dma_start3A_12 = arith.constant 99968 : i32
    %dma_start3A_13 = tpu.memref_slice %arg2[%add3A_7, %dma_start3A_12] : memref<1024x100000xf32, #tpu.memory_space<hbm>> -> memref<8x32xf32, #tpu.memory_space<hbm>>
    %dma_start3A_14 = arith.constant 0 : i32
    %dma_start3A_15 = arith.constant 0 : i32
    %dma_start3A_16 = tpu.memref_slice %arg5[%dma_start3A, %dma_start3A_14, %dma_start3A_15] : memref<4x8x32xf32, #tpu.memory_space<vmem>> -> memref<1x8x32xf32, #tpu.memory_space<vmem>>
    %dma_start3A_17 = tpu.memref_squeeze %dma_start3A_16 : memref<1x8x32xf32, #tpu.memory_space<vmem>> -> memref<8x32xf32, #tpu.memory_space<vmem>>
    %dma_start3A_18 = arith.constant 99968 : i32
    %dma_start3A_19 = tpu.memref_slice %arg2[%add3A_7, %dma_start3A_18] : memref<1024x100000xf32, #tpu.memory_space<hbm>> -> memref<8x32xf32, #tpu.memory_space<hbm>>
    tpu.enqueue_dma source(%dma_start3A_19 : memref<8x32xf32, #tpu.memory_space<hbm>>) target(%dma_start3A_17 : memref<8x32xf32, #tpu.memory_space<vmem>>) target_semaphore(%arg9 : memref<!tpu.dma_semaphore, #tpu.memory_space<semaphore_mem>>)
    %add3A_20 = arith.constant 8 : i32
    %add3A_21 = arith.addi %mul3A_2, %add3A_20 : i32
    %dma_start3A_22 = arith.constant 1 : i32
    %dma_start3A_23 = arith.constant 0 : i32
    %dma_start3A_24 = arith.constant 0 : i32
    %dma_start3A_25 = tpu.memref_slice %arg5[%dma_start3A_22, %dma_start3A_23, %dma_start3A_24] : memref<4x8x32xf32, #tpu.memory_space<vmem>> -> memref<1x8x32xf32, #tpu.memory_space<vmem>>
    %dma_start3A_26 = tpu.memref_squeeze %dma_start3A_25 : memref<1x8x32xf32, #tpu.memory_space<vmem>> -> memref<8x32xf32, #tpu.memory_space<vmem>>
    %dma_start3A_27 = arith.constant 99968 : i32
    %dma_start3A_28 = tpu.memref_slice %arg2[%add3A_21, %dma_start3A_27] : memref<1024x100000xf32, #tpu.memory_space<hbm>> -> memref<8x32xf32, #tpu.memory_space<hbm>>
    %dma_start3A_29 = arith.constant 0 : i32
    %dma_start3A_30 = arith.constant 0 : i32
    %dma_start3A_31 = tpu.memref_slice %arg5[%dma_start3A_22, %dma_start3A_29, %dma_start3A_30] : memref<4x8x32xf32, #tpu.memory_space<vmem>> -> memref<1x8x32xf32, #tpu.memory_space<vmem>>
    %dma_start3A_32 = tpu.memref_squeeze %dma_start3A_31 : memref<1x8x32xf32, #tpu.memory_space<vmem>> -> memref<8x32xf32, #tpu.memory_space<vmem>>
    %dma_start3A_33 = arith.constant 99968 : i32
    %dma_start3A_34 = tpu.memref_slice %arg2[%add3A_21, %dma_start3A_33] : memref<1024x100000xf32, #tpu.memory_space<hbm>> -> memref<8x32xf32, #tpu.memory_space<hbm>>
    tpu.enqueue_dma source(%dma_start3A_34 : memref<8x32xf32, #tpu.memory_space<hbm>>) target(%dma_start3A_32 : memref<8x32xf32, #tpu.memory_space<vmem>>) target_semaphore(%arg9 : memref<!tpu.dma_semaphore, #tpu.memory_space<semaphore_mem>>)
    %add3A_35 = arith.constant 16 : i32
    %add3A_36 = arith.addi %mul3A_2, %add3A_35 : i32
    %dma_start3A_37 = arith.constant 2 : i32
    %dma_start3A_38 = arith.constant 0 : i32
    %dma_start3A_39 = arith.constant 0 : i32
    %dma_start3A_40 = tpu.memref_slice %arg5[%dma_start3A_37, %dma_start3A_38, %dma_start3A_39] : memref<4x8x32xf32, #tpu.memory_space<vmem>> -> memref<1x8x32xf32, #tpu.memory_space<vmem>>
    %dma_start3A_41 = tpu.memref_squeeze %dma_start3A_40 : memref<1x8x32xf32, #tpu.memory_space<vmem>> -> memref<8x32xf32, #tpu.memory_space<vmem>>
    %dma_start3A_42 = arith.constant 99968 : i32
    %dma_start3A_43 = tpu.memref_slice %arg2[%add3A_36, %dma_start3A_42] : memref<1024x100000xf32, #tpu.memory_space<hbm>> -> memref<8x32xf32, #tpu.memory_space<hbm>>
    %dma_start3A_44 = arith.constant 0 : i32
    %dma_start3A_45 = arith.constant 0 : i32
    %dma_start3A_46 = tpu.memref_slice %arg5[%dma_start3A_37, %dma_start3A_44, %dma_start3A_45] : memref<4x8x32xf32, #tpu.memory_space<vmem>> -> memref<1x8x32xf32, #tpu.memory_space<vmem>>
    %dma_start3A_47 = tpu.memref_squeeze %dma_start3A_46 : memref<1x8x32xf32, #tpu.memory_space<vmem>> -> memref<8x32xf32, #tpu.memory_space<vmem>>
    %dma_start3A_48 = arith.constant 99968 : i32
    %dma_start3A_49 = tpu.memref_slice %arg2[%add3A_36, %dma_start3A_48] : memref<1024x100000xf32, #tpu.memory_space<hbm>> -> memref<8x32xf32, #tpu.memory_space<hbm>>
    tpu.enqueue_dma source(%dma_start3A_49 : memref<8x32xf32, #tpu.memory_space<hbm>>) target(%dma_start3A_47 : memref<8x32xf32, #tpu.memory_space<vmem>>) target_semaphore(%arg9 : memref<!tpu.dma_semaphore, #tpu.memory_space<semaphore_mem>>)
    %add3A_50 = arith.constant 24 : i32
    %add3A_51 = arith.addi %mul3A_2, %add3A_50 : i32
    %dma_start3A_52 = arith.constant 3 : i32
    %dma_start3A_53 = arith.constant 0 : i32
    %dma_start3A_54 = arith.constant 0 : i32
    %dma_start3A_55 = tpu.memref_slice %arg5[%dma_start3A_52, %dma_start3A_53, %dma_start3A_54] : memref<4x8x32xf32, #tpu.memory_space<vmem>> -> memref<1x8x32xf32, #tpu.memory_space<vmem>>
    %dma_start3A_56 = tpu.memref_squeeze %dma_start3A_55 : memref<1x8x32xf32, #tpu.memory_space<vmem>> -> memref<8x32xf32, #tpu.memory_space<vmem>>
    %dma_start3A_57 = arith.constant 99968 : i32
    %dma_start3A_58 = tpu.memref_slice %arg2[%add3A_51, %dma_start3A_57] : memref<1024x100000xf32, #tpu.memory_space<hbm>> -> memref<8x32xf32, #tpu.memory_space<hbm>>
    %dma_start3A_59 = arith.constant 0 : i32
    %dma_start3A_60 = arith.constant 0 : i32
    %dma_start3A_61 = tpu.memref_slice %arg5[%dma_start3A_52, %dma_start3A_59, %dma_start3A_60] : memref<4x8x32xf32, #tpu.memory_space<vmem>> -> memref<1x8x32xf32, #tpu.memory_space<vmem>>
    %dma_start3A_62 = tpu.memref_squeeze %dma_start3A_61 : memref<1x8x32xf32, #tpu.memory_space<vmem>> -> memref<8x32xf32, #tpu.memory_space<vmem>>
    %dma_start3A_63 = arith.constant 99968 : i32
    %dma_start3A_64 = tpu.memref_slice %arg2[%add3A_51, %dma_start3A_63] : memref<1024x100000xf32, #tpu.memory_space<hbm>> -> memref<8x32xf32, #tpu.memory_space<hbm>>
    tpu.enqueue_dma source(%dma_start3A_64 : memref<8x32xf32, #tpu.memory_space<hbm>>) target(%dma_start3A_62 : memref<8x32xf32, #tpu.memory_space<vmem>>) target_semaphore(%arg9 : memref<!tpu.dma_semaphore, #tpu.memory_space<semaphore_mem>>)
    %add3A_65 = arith.constant 0 : i32
    %add3A_66 = arith.addi %mul3A_2, %add3A_65 : i32
    %dma_wait3A = arith.constant 0 : i32
    %dma_wait3A_67 = arith.constant 0 : i32
    %dma_wait3A_68 = arith.constant 0 : i32
    %dma_wait3A_69 = tpu.memref_slice %arg5[%dma_wait3A, %dma_wait3A_67, %dma_wait3A_68] : memref<4x8x32xf32, #tpu.memory_space<vmem>> -> memref<1x8x32xf32, #tpu.memory_space<vmem>>
    %dma_wait3A_70 = tpu.memref_squeeze %dma_wait3A_69 : memref<1x8x32xf32, #tpu.memory_space<vmem>> -> memref<8x32xf32, #tpu.memory_space<vmem>>
    %dma_wait3A_71 = arith.constant 99968 : i32
    %dma_wait3A_72 = tpu.memref_slice %arg2[%add3A_66, %dma_wait3A_71] : memref<1024x100000xf32, #tpu.memory_space<hbm>> -> memref<8x32xf32, #tpu.memory_space<hbm>>
    %dma_wait3A_73 = arith.constant 0 : i32
    %dma_wait3A_74 = arith.constant 0 : i32
    %dma_wait3A_75 = tpu.memref_slice %arg5[%dma_wait3A, %dma_wait3A_73, %dma_wait3A_74] : memref<4x8x32xf32, #tpu.memory_space<vmem>> -> memref<1x8x32xf32, #tpu.memory_space<vmem>>
    %dma_wait3A_76 = tpu.memref_squeeze %dma_wait3A_75 : memref<1x8x32xf32, #tpu.memory_space<vmem>> -> memref<8x32xf32, #tpu.memory_space<vmem>>
    %dma_wait3A_77 = arith.constant 99968 : i32
    %dma_wait3A_78 = tpu.memref_slice %arg2[%add3A_66, %dma_wait3A_77] : memref<1024x100000xf32, #tpu.memory_space<hbm>> -> memref<8x32xf32, #tpu.memory_space<hbm>>
    tpu.wait_dma2 semaphore(%arg9 : memref<!tpu.dma_semaphore, #tpu.memory_space<semaphore_mem>>) src(%dma_wait3A_78 : memref<8x32xf32, #tpu.memory_space<hbm>>) dst(%dma_wait3A_76 : memref<8x32xf32, #tpu.memory_space<vmem>>)
    %add3A_79 = arith.constant 8 : i32
    %add3A_80 = arith.addi %mul3A_2, %add3A_79 : i32
    %dma_wait3A_81 = arith.constant 1 : i32
    %dma_wait3A_82 = arith.constant 0 : i32
    %dma_wait3A_83 = arith.constant 0 : i32
    %dma_wait3A_84 = tpu.memref_slice %arg5[%dma_wait3A_81, %dma_wait3A_82, %dma_wait3A_83] : memref<4x8x32xf32, #tpu.memory_space<vmem>> -> memref<1x8x32xf32, #tpu.memory_space<vmem>>
    %dma_wait3A_85 = tpu.memref_squeeze %dma_wait3A_84 : memref<1x8x32xf32, #tpu.memory_space<vmem>> -> memref<8x32xf32, #tpu.memory_space<vmem>>
    %dma_wait3A_86 = arith.constant 99968 : i32
    %dma_wait3A_87 = tpu.memref_slice %arg2[%add3A_80, %dma_wait3A_86] : memref<1024x100000xf32, #tpu.memory_space<hbm>> -> memref<8x32xf32, #tpu.memory_space<hbm>>
    %dma_wait3A_88 = arith.constant 0 : i32
    %dma_wait3A_89 = arith.constant 0 : i32
    %dma_wait3A_90 = tpu.memref_slice %arg5[%dma_wait3A_81, %dma_wait3A_88, %dma_wait3A_89] : memref<4x8x32xf32, #tpu.memory_space<vmem>> -> memref<1x8x32xf32, #tpu.memory_space<vmem>>
    %dma_wait3A_91 = tpu.memref_squeeze %dma_wait3A_90 : memref<1x8x32xf32, #tpu.memory_space<vmem>> -> memref<8x32xf32, #tpu.memory_space<vmem>>
    %dma_wait3A_92 = arith.constant 99968 : i32
    %dma_wait3A_93 = tpu.memref_slice %arg2[%add3A_80, %dma_wait3A_92] : memref<1024x100000xf32, #tpu.memory_space<hbm>> -> memref<8x32xf32, #tpu.memory_space<hbm>>
    tpu.wait_dma2 semaphore(%arg9 : memref<!tpu.dma_semaphore, #tpu.memory_space<semaphore_mem>>) src(%dma_wait3A_93 : memref<8x32xf32, #tpu.memory_space<hbm>>) dst(%dma_wait3A_91 : memref<8x32xf32, #tpu.memory_space<vmem>>)
    %add3A_94 = arith.constant 16 : i32
    %add3A_95 = arith.addi %mul3A_2, %add3A_94 : i32
    %dma_wait3A_96 = arith.constant 2 : i32
    %dma_wait3A_97 = arith.constant 0 : i32
    %dma_wait3A_98 = arith.constant 0 : i32
    %dma_wait3A_99 = tpu.memref_slice %arg5[%dma_wait3A_96, %dma_wait3A_97, %dma_wait3A_98] : memref<4x8x32xf32, #tpu.memory_space<vmem>> -> memref<1x8x32xf32, #tpu.memory_space<vmem>>
    %dma_wait3A_100 = tpu.memref_squeeze %dma_wait3A_99 : memref<1x8x32xf32, #tpu.memory_space<vmem>> -> memref<8x32xf32, #tpu.memory_space<vmem>>
    %dma_wait3A_101 = arith.constant 99968 : i32
    %dma_wait3A_102 = tpu.memref_slice %arg2[%add3A_95, %dma_wait3A_101] : memref<1024x100000xf32, #tpu.memory_space<hbm>> -> memref<8x32xf32, #tpu.memory_space<hbm>>
    %dma_wait3A_103 = arith.constant 0 : i32
    %dma_wait3A_104 = arith.constant 0 : i32
    %dma_wait3A_105 = tpu.memref_slice %arg5[%dma_wait3A_96, %dma_wait3A_103, %dma_wait3A_104] : memref<4x8x32xf32, #tpu.memory_space<vmem>> -> memref<1x8x32xf32, #tpu.memory_space<vmem>>
    %dma_wait3A_106 = tpu.memref_squeeze %dma_wait3A_105 : memref<1x8x32xf32, #tpu.memory_space<vmem>> -> memref<8x32xf32, #tpu.memory_space<vmem>>
    %dma_wait3A_107 = arith.constant 99968 : i32
    %dma_wait3A_108 = tpu.memref_slice %arg2[%add3A_95, %dma_wait3A_107] : memref<1024x100000xf32, #tpu.memory_space<hbm>> -> memref<8x32xf32, #tpu.memory_space<hbm>>
    tpu.wait_dma2 semaphore(%arg9 : memref<!tpu.dma_semaphore, #tpu.memory_space<semaphore_mem>>) src(%dma_wait3A_108 : memref<8x32xf32, #tpu.memory_space<hbm>>) dst(%dma_wait3A_106 : memref<8x32xf32, #tpu.memory_space<vmem>>)
    %add3A_109 = arith.constant 24 : i32
    %add3A_110 = arith.addi %mul3A_2, %add3A_109 : i32
    %dma_wait3A_111 = arith.constant 3 : i32
    %dma_wait3A_112 = arith.constant 0 : i32
    %dma_wait3A_113 = arith.constant 0 : i32
    %dma_wait3A_114 = tpu.memref_slice %arg5[%dma_wait3A_111, %dma_wait3A_112, %dma_wait3A_113] : memref<4x8x32xf32, #tpu.memory_space<vmem>> -> memref<1x8x32xf32, #tpu.memory_space<vmem>>
    %dma_wait3A_115 = tpu.memref_squeeze %dma_wait3A_114 : memref<1x8x32xf32, #tpu.memory_space<vmem>> -> memref<8x32xf32, #tpu.memory_space<vmem>>
    %dma_wait3A_116 = arith.constant 99968 : i32
    %dma_wait3A_117 = tpu.memref_slice %arg2[%add3A_110, %dma_wait3A_116] : memref<1024x100000xf32, #tpu.memory_space<hbm>> -> memref<8x32xf32, #tpu.memory_space<hbm>>
    %dma_wait3A_118 = arith.constant 0 : i32
    %dma_wait3A_119 = arith.constant 0 : i32
    %dma_wait3A_120 = tpu.memref_slice %arg5[%dma_wait3A_111, %dma_wait3A_118, %dma_wait3A_119] : memref<4x8x32xf32, #tpu.memory_space<vmem>> -> memref<1x8x32xf32, #tpu.memory_space<vmem>>
    %dma_wait3A_121 = tpu.memref_squeeze %dma_wait3A_120 : memref<1x8x32xf32, #tpu.memory_space<vmem>> -> memref<8x32xf32, #tpu.memory_space<vmem>>
    %dma_wait3A_122 = arith.constant 99968 : i32
    %dma_wait3A_123 = tpu.memref_slice %arg2[%add3A_110, %dma_wait3A_122] : memref<1024x100000xf32, #tpu.memory_space<hbm>> -> memref<8x32xf32, #tpu.memory_space<hbm>>
    tpu.wait_dma2 semaphore(%arg9 : memref<!tpu.dma_semaphore, #tpu.memory_space<semaphore_mem>>) src(%dma_wait3A_123 : memref<8x32xf32, #tpu.memory_space<hbm>>) dst(%dma_wait3A_121 : memref<8x32xf32, #tpu.memory_space<vmem>>)
    %dma_start3A_124 = arith.constant 0 : i32
    %dma_start3A_125 = arith.constant 0 : i32
    %dma_start3A_126 = arith.constant 0 : i32
    %dma_start3A_127 = tpu.memref_slice %arg4[%dma_start3A_124, %dma_start3A_125, %dma_start3A_126] : memref<2x8x1408xf32, #tpu.memory_space<vmem>> -> memref<1x8x1408xf32, #tpu.memory_space<vmem>>
    %dma_start3A_128 = tpu.memref_squeeze %dma_start3A_127 : memref<1x8x1408xf32, #tpu.memory_space<vmem>> -> memref<8x1408xf32, #tpu.memory_space<vmem>>
    %dma_start3A_129 = arith.constant 0 : i32
    %dma_start3A_130 = tpu.memref_slice %arg2[%mul3A_2, %dma_start3A_129] : memref<1024x100000xf32, #tpu.memory_space<hbm>> -> memref<8x1408xf32, #tpu.memory_space<hbm>>
    %dma_start3A_131 = arith.constant 0 : i32
    %dma_start3A_132 = arith.constant 0 : i32
    %dma_start3A_133 = tpu.memref_slice %arg4[%dma_start3A_124, %dma_start3A_131, %dma_start3A_132] : memref<2x8x1408xf32, #tpu.memory_space<vmem>> -> memref<1x8x1408xf32, #tpu.memory_space<vmem>>
    %dma_start3A_134 = tpu.memref_squeeze %dma_start3A_133 : memref<1x8x1408xf32, #tpu.memory_space<vmem>> -> memref<8x1408xf32, #tpu.memory_space<vmem>>
    %dma_start3A_135 = arith.constant 0 : i32
    %dma_start3A_136 = tpu.memref_slice %arg2[%mul3A_2, %dma_start3A_135] : memref<1024x100000xf32, #tpu.memory_space<hbm>> -> memref<8x1408xf32, #tpu.memory_space<hbm>>
    tpu.enqueue_dma source(%dma_start3A_136 : memref<8x1408xf32, #tpu.memory_space<hbm>>) target(%dma_start3A_134 : memref<8x1408xf32, #tpu.memory_space<vmem>>) target_semaphore(%arg7 : memref<!tpu.dma_semaphore, #tpu.memory_space<semaphore_mem>>)
    %dma_start3A_137 = arith.constant 1 : i32
    %dma_start3A_138 = arith.constant 0 : i32
    %dma_start3A_139 = arith.constant 0 : i32
    %dma_start3A_140 = tpu.memref_slice %arg4[%dma_start3A_137, %dma_start3A_138, %dma_start3A_139] : memref<2x8x1408xf32, #tpu.memory_space<vmem>> -> memref<1x8x1408xf32, #tpu.memory_space<vmem>>
    %dma_start3A_141 = tpu.memref_squeeze %dma_start3A_140 : memref<1x8x1408xf32, #tpu.memory_space<vmem>> -> memref<8x1408xf32, #tpu.memory_space<vmem>>
    %dma_start3A_142 = arith.constant 1408 : i32
    %dma_start3A_143 = tpu.memref_slice %arg2[%mul3A_2, %dma_start3A_142] : memref<1024x100000xf32, #tpu.memory_space<hbm>> -> memref<8x1408xf32, #tpu.memory_space<hbm>>
    %dma_start3A_144 = arith.constant 0 : i32
    %dma_start3A_145 = arith.constant 0 : i32
    %dma_start3A_146 = tpu.memref_slice %arg4[%dma_start3A_137, %dma_start3A_144, %dma_start3A_145] : memref<2x8x1408xf32, #tpu.memory_space<vmem>> -> memref<1x8x1408xf32, #tpu.memory_space<vmem>>
    %dma_start3A_147 = tpu.memref_squeeze %dma_start3A_146 : memref<1x8x1408xf32, #tpu.memory_space<vmem>> -> memref<8x1408xf32, #tpu.memory_space<vmem>>
    %dma_start3A_148 = arith.constant 1408 : i32
    %dma_start3A_149 = tpu.memref_slice %arg2[%mul3A_2, %dma_start3A_148] : memref<1024x100000xf32, #tpu.memory_space<hbm>> -> memref<8x1408xf32, #tpu.memory_space<hbm>>
    tpu.enqueue_dma source(%dma_start3A_149 : memref<8x1408xf32, #tpu.memory_space<hbm>>) target(%dma_start3A_147 : memref<8x1408xf32, #tpu.memory_space<vmem>>) target_semaphore(%arg8 : memref<!tpu.dma_semaphore, #tpu.memory_space<semaphore_mem>>)
    %scan3A = arith.constant 0 : i32
    %scan3A_150 = arith.constant 0 : i32
    %scan3A_151 = arith.constant 0 : i32
    %scan3A_152 = arith.constant 2 : i32
    %scan3A_153 = arith.constant 0 : i32
    %scan3A_154 = arith.constant 142 : i32
    %scan3A_155 = arith.addi %scan3A_153, %scan3A_154 : i32
    %scan3A_156 = arith.constant 1 : i32
    %scan3A_157:20 = scf.for %scan3A_159 = %scan3A_153 to %scan3A_155 step %scan3A_156 iter_args(%scan3A_160 = %broadcast_in_dim3A_3, %scan3A_161 = %broadcast_in_dim3A_3, %scan3A_162 = %broadcast_in_dim3A_3, %scan3A_163 = %broadcast_in_dim3A_3, %scan3A_164 = %broadcast_in_dim3A_3, %scan3A_165 = %broadcast_in_dim3A_3, %scan3A_166 = %broadcast_in_dim3A_3, %scan3A_167 = %broadcast_in_dim3A_3, %scan3A_168 = %broadcast_in_dim3A_5, %scan3A_169 = %broadcast_in_dim3A_5, %scan3A_170 = %broadcast_in_dim3A_5, %scan3A_171 = %broadcast_in_dim3A_5, %scan3A_172 = %broadcast_in_dim3A_5, %scan3A_173 = %broadcast_in_dim3A_5, %scan3A_174 = %broadcast_in_dim3A_5, %scan3A_175 = %broadcast_in_dim3A_5, %scan3A_176 = %scan3A, %scan3A_177 = %scan3A_150, %scan3A_178 = %scan3A_151, %scan3A_179 = %scan3A_152) -> (vector<16xf32>, vector<16xf32>, vector<16xf32>, vector<16xf32>, vector<16xf32>, vector<16xf32>, vector<16xf32>, vector<16xf32>, vector<16xi32>, vector<16xi32>, vector<16xi32>, vector<16xi32>, vector<16xi32>, vector<16xi32>, vector<16xi32>, vector<16xi32>, i32, i32, i32, i32)  : i32 {
      %eq3A = arith.constant 0 : i32
      %eq3A_180 = arith.cmpi eq, %scan3A_177, %eq3A : i32
      %select_n3A = arith.select %eq3A_180, %broadcast_in_dim3A_3, %scan3A_160 : vector<16xf32>
      %select_n3A_181 = arith.select %eq3A_180, %broadcast_in_dim3A_3, %scan3A_161 : vector<16xf32>
      %select_n3A_182 = arith.select %eq3A_180, %broadcast_in_dim3A_3, %scan3A_162 : vector<16xf32>
      %select_n3A_183 = arith.select %eq3A_180, %broadcast_in_dim3A_3, %scan3A_163 : vector<16xf32>
      %select_n3A_184 = arith.select %eq3A_180, %broadcast_in_dim3A_3, %scan3A_164 : vector<16xf32>
      %select_n3A_185 = arith.select %eq3A_180, %broadcast_in_dim3A_3, %scan3A_165 : vector<16xf32>
      %select_n3A_186 = arith.select %eq3A_180, %broadcast_in_dim3A_3, %scan3A_166 : vector<16xf32>
      %select_n3A_187 = arith.select %eq3A_180, %broadcast_in_dim3A_3, %scan3A_167 : vector<16xf32>
      %select_n3A_188 = arith.select %eq3A_180, %broadcast_in_dim3A_5, %scan3A_168 : vector<16xi32>
      %select_n3A_189 = arith.select %eq3A_180, %broadcast_in_dim3A_5, %scan3A_169 : vector<16xi32>
      %select_n3A_190 = arith.select %eq3A_180, %broadcast_in_dim3A_5, %scan3A_170 : vector<16xi32>
      %select_n3A_191 = arith.select %eq3A_180, %broadcast_in_dim3A_5, %scan3A_171 : vector<16xi32>
      %select_n3A_192 = arith.select %eq3A_180, %broadcast_in_dim3A_5, %scan3A_172 : vector<16xi32>
      %select_n3A_193 = arith.select %eq3A_180, %broadcast_in_dim3A_5, %scan3A_173 : vector<16xi32>
      %select_n3A_194 = arith.select %eq3A_180, %broadcast_in_dim3A_5, %scan3A_174 : vector<16xi32>
      %select_n3A_195 = arith.select %eq3A_180, %broadcast_in_dim3A_5, %scan3A_175 : vector<16xi32>
      %dma_wait3A_196 = arith.constant 0 : i32
      %dma_wait3A_197 = arith.constant 0 : i32
      %dma_wait3A_198 = arith.constant 0 : i32
      %dma_wait3A_199 = tpu.memref_slice %arg4[%dma_wait3A_196, %dma_wait3A_197, %dma_wait3A_198] : memref<2x8x1408xf32, #tpu.memory_space<vmem>> -> memref<1x8x1408xf32, #tpu.memory_space<vmem>>
      %dma_wait3A_200 = tpu.memref_squeeze %dma_wait3A_199 : memref<1x8x1408xf32, #tpu.memory_space<vmem>> -> memref<8x1408xf32, #tpu.memory_space<vmem>>
      %dma_wait3A_201 = arith.constant 0 : i32
      %dma_wait3A_202 = tpu.memref_slice %arg2[%mul3A_2, %dma_wait3A_201] : memref<1024x100000xf32, #tpu.memory_space<hbm>> -> memref<8x1408xf32, #tpu.memory_space<hbm>>
      %dma_wait3A_203 = arith.constant 0 : i32
      %dma_wait3A_204 = arith.constant 0 : i32
      %dma_wait3A_205 = tpu.memref_slice %arg4[%dma_wait3A_196, %dma_wait3A_203, %dma_wait3A_204] : memref<2x8x1408xf32, #tpu.memory_space<vmem>> -> memref<1x8x1408xf32, #tpu.memory_space<vmem>>
      %dma_wait3A_206 = tpu.memref_squeeze %dma_wait3A_205 : memref<1x8x1408xf32, #tpu.memory_space<vmem>> -> memref<8x1408xf32, #tpu.memory_space<vmem>>
      %dma_wait3A_207 = arith.constant 0 : i32
      %dma_wait3A_208 = tpu.memref_slice %arg2[%mul3A_2, %dma_wait3A_207] : memref<1024x100000xf32, #tpu.memory_space<hbm>> -> memref<8x1408xf32, #tpu.memory_space<hbm>>
      tpu.wait_dma2 semaphore(%arg7 : memref<!tpu.dma_semaphore, #tpu.memory_space<semaphore_mem>>) src(%dma_wait3A_208 : memref<8x1408xf32, #tpu.memory_space<hbm>>) dst(%dma_wait3A_206 : memref<8x1408xf32, #tpu.memory_space<vmem>>)
      %mul3A_209 = arith.constant 88 : i32
      %mul3A_210 = arith.muli %scan3A_177, %mul3A_209 : i32
      %scan3A_211 = arith.constant 0 : i32
      %scan3A_212 = arith.constant 44 : i32
      %scan3A_213 = arith.addi %scan3A_211, %scan3A_212 : i32
      %scan3A_214 = arith.constant 1 : i32
      %scan3A_215:16 = scf.for %scan3A_312 = %scan3A_211 to %scan3A_213 step %scan3A_214 iter_args(%scan3A_313 = %select_n3A, %scan3A_314 = %select_n3A_181, %scan3A_315 = %select_n3A_182, %scan3A_316 = %select_n3A_183, %scan3A_317 = %select_n3A_184, %scan3A_318 = %select_n3A_185, %scan3A_319 = %select_n3A_186, %scan3A_320 = %select_n3A_187, %scan3A_321 = %select_n3A_188, %scan3A_322 = %select_n3A_189, %scan3A_323 = %select_n3A_190, %scan3A_324 = %select_n3A_191, %scan3A_325 = %select_n3A_192, %scan3A_326 = %select_n3A_193, %scan3A_327 = %select_n3A_194, %scan3A_328 = %select_n3A_195) -> (vector<16xf32>, vector<16xf32>, vector<16xf32>, vector<16xf32>, vector<16xf32>, vector<16xf32>, vector<16xf32>, vector<16xf32>, vector<16xi32>, vector<16xi32>, vector<16xi32>, vector<16xi32>, vector<16xi32>, vector<16xi32>, vector<16xi32>, vector<16xi32>)  : i32 {
        %mul3A_329 = arith.constant 2 : i32
        %mul3A_330 = arith.muli %scan3A_312, %mul3A_329 : i32
        %add3A_331 = arith.constant 0 : i32
        %add3A_332 = arith.addi %mul3A_330, %add3A_331 : i32
        %add3A_333 = arith.addi %mul3A_210, %add3A_332 : i32
        %mul3A_334 = arith.constant 16 : i32
        %mul3A_335 = arith.muli %add3A_332, %mul3A_334 : i32
        %get3A = arith.constant 0 : i32
        %get3A_336 = arith.constant 0 : i32
        %get3A_337 = arith.index_cast %get3A : i32 to index
        %get3A_338 = arith.index_cast %get3A_336 : i32 to index
        %get3A_339 = arith.index_cast %mul3A_335 : i32 to index
        %get3A_340 = tpu.vector_load %arg4[%get3A_337, %get3A_338, %get3A_339] {strides = array<i32>} : memref<2x8x1408xf32, #tpu.memory_space<vmem>>, vector<16xf32>,
        %gt3A = arith.cmpf ogt, %get3A_340, %scan3A_313 : vector<16xf32>
        %select_n3A_341 = arith.select %gt3A, %get3A_340, %scan3A_313 : vector<16xi1>, vector<16xf32>
        %broadcast_in_dim3A_342 = vector.broadcast %add3A_333 : i32 to vector<16xi32>
        %select_n3A_343 = arith.select %gt3A, %broadcast_in_dim3A_342, %scan3A_321 : vector<16xi1>, vector<16xi32>
        %mul3A_344 = arith.constant 16 : i32
        %mul3A_345 = arith.muli %add3A_332, %mul3A_344 : i32
        %get3A_346 = arith.constant 0 : i32
        %get3A_347 = arith.constant 1 : i32
        %get3A_348 = arith.index_cast %get3A_346 : i32 to index
        %get3A_349 = arith.index_cast %get3A_347 : i32 to index
        %get3A_350 = arith.index_cast %mul3A_345 : i32 to index
        %get3A_351 = tpu.vector_load %arg4[%get3A_348, %get3A_349, %get3A_350] {strides = array<i32>} : memref<2x8x1408xf32, #tpu.memory_space<vmem>>, vector<16xf32>,
        %gt3A_352 = arith.cmpf ogt, %get3A_351, %scan3A_314 : vector<16xf32>
        %select_n3A_353 = arith.select %gt3A_352, %get3A_351, %scan3A_314 : vector<16xi1>, vector<16xf32>
        %broadcast_in_dim3A_354 = vector.broadcast %add3A_333 : i32 to vector<16xi32>
        %select_n3A_355 = arith.select %gt3A_352, %broadcast_in_dim3A_354, %scan3A_322 : vector<16xi1>, vector<16xi32>
        %mul3A_356 = arith.constant 16 : i32
        %mul3A_357 = arith.muli %add3A_332, %mul3A_356 : i32
        %get3A_358 = arith.constant 0 : i32
        %get3A_359 = arith.constant 2 : i32
        %get3A_360 = arith.index_cast %get3A_358 : i32 to index
        %get3A_361 = arith.index_cast %get3A_359 : i32 to index
        %get3A_362 = arith.index_cast %mul3A_357 : i32 to index
        %get3A_363 = tpu.vector_load %arg4[%get3A_360, %get3A_361, %get3A_362] {strides = array<i32>} : memref<2x8x1408xf32, #tpu.memory_space<vmem>>, vector<16xf32>,
        %gt3A_364 = arith.cmpf ogt, %get3A_363, %scan3A_315 : vector<16xf32>
        %select_n3A_365 = arith.select %gt3A_364, %get3A_363, %scan3A_315 : vector<16xi1>, vector<16xf32>
        %broadcast_in_dim3A_366 = vector.broadcast %add3A_333 : i32 to vector<16xi32>
        %select_n3A_367 = arith.select %gt3A_364, %broadcast_in_dim3A_366, %scan3A_323 : vector<16xi1>, vector<16xi32>
        %mul3A_368 = arith.constant 16 : i32
        %mul3A_369 = arith.muli %add3A_332, %mul3A_368 : i32
        %get3A_370 = arith.constant 0 : i32
        %get3A_371 = arith.constant 3 : i32
        %get3A_372 = arith.index_cast %get3A_370 : i32 to index
        %get3A_373 = arith.index_cast %get3A_371 : i32 to index
        %get3A_374 = arith.index_cast %mul3A_369 : i32 to index
        %get3A_375 = tpu.vector_load %arg4[%get3A_372, %get3A_373, %get3A_374] {strides = array<i32>} : memref<2x8x1408xf32, #tpu.memory_space<vmem>>, vector<16xf32>,
        %gt3A_376 = arith.cmpf ogt, %get3A_375, %scan3A_316 : vector<16xf32>
        %select_n3A_377 = arith.select %gt3A_376, %get3A_375, %scan3A_316 : vector<16xi1>, vector<16xf32>
        %broadcast_in_dim3A_378 = vector.broadcast %add3A_333 : i32 to vector<16xi32>
        %select_n3A_379 = arith.select %gt3A_376, %broadcast_in_dim3A_378, %scan3A_324 : vector<16xi1>, vector<16xi32>
        %mul3A_380 = arith.constant 16 : i32
        %mul3A_381 = arith.muli %add3A_332, %mul3A_380 : i32
        %get3A_382 = arith.constant 0 : i32
        %get3A_383 = arith.constant 4 : i32
        %get3A_384 = arith.index_cast %get3A_382 : i32 to index
        %get3A_385 = arith.index_cast %get3A_383 : i32 to index
        %get3A_386 = arith.index_cast %mul3A_381 : i32 to index
        %get3A_387 = tpu.vector_load %arg4[%get3A_384, %get3A_385, %get3A_386] {strides = array<i32>} : memref<2x8x1408xf32, #tpu.memory_space<vmem>>, vector<16xf32>,
        %gt3A_388 = arith.cmpf ogt, %get3A_387, %scan3A_317 : vector<16xf32>
        %select_n3A_389 = arith.select %gt3A_388, %get3A_387, %scan3A_317 : vector<16xi1>, vector<16xf32>
        %broadcast_in_dim3A_390 = vector.broadcast %add3A_333 : i32 to vector<16xi32>
        %select_n3A_391 = arith.select %gt3A_388, %broadcast_in_dim3A_390, %scan3A_325 : vector<16xi1>, vector<16xi32>
        %mul3A_392 = arith.constant 16 : i32
        %mul3A_393 = arith.muli %add3A_332, %mul3A_392 : i32
        %get3A_394 = arith.constant 0 : i32
        %get3A_395 = arith.constant 5 : i32
        %get3A_396 = arith.index_cast %get3A_394 : i32 to index
        %get3A_397 = arith.index_cast %get3A_395 : i32 to index
        %get3A_398 = arith.index_cast %mul3A_393 : i32 to index
        %get3A_399 = tpu.vector_load %arg4[%get3A_396, %get3A_397, %get3A_398] {strides = array<i32>} : memref<2x8x1408xf32, #tpu.memory_space<vmem>>, vector<16xf32>,
        %gt3A_400 = arith.cmpf ogt, %get3A_399, %scan3A_318 : vector<16xf32>
        %select_n3A_401 = arith.select %gt3A_400, %get3A_399, %scan3A_318 : vector<16xi1>, vector<16xf32>
        %broadcast_in_dim3A_402 = vector.broadcast %add3A_333 : i32 to vector<16xi32>
        %select_n3A_403 = arith.select %gt3A_400, %broadcast_in_dim3A_402, %scan3A_326 : vector<16xi1>, vector<16xi32>
        %mul3A_404 = arith.constant 16 : i32
        %mul3A_405 = arith.muli %add3A_332, %mul3A_404 : i32
        %get3A_406 = arith.constant 0 : i32
        %get3A_407 = arith.constant 6 : i32
        %get3A_408 = arith.index_cast %get3A_406 : i32 to index
        %get3A_409 = arith.index_cast %get3A_407 : i32 to index
        %get3A_410 = arith.index_cast %mul3A_405 : i32 to index
        %get3A_411 = tpu.vector_load %arg4[%get3A_408, %get3A_409, %get3A_410] {strides = array<i32>} : memref<2x8x1408xf32, #tpu.memory_space<vmem>>, vector<16xf32>,
        %gt3A_412 = arith.cmpf ogt, %get3A_411, %scan3A_319 : vector<16xf32>
        %select_n3A_413 = arith.select %gt3A_412, %get3A_411, %scan3A_319 : vector<16xi1>, vector<16xf32>
        %broadcast_in_dim3A_414 = vector.broadcast %add3A_333 : i32 to vector<16xi32>
        %select_n3A_415 = arith.select %gt3A_412, %broadcast_in_dim3A_414, %scan3A_327 : vector<16xi1>, vector<16xi32>
        %mul3A_416 = arith.constant 16 : i32
        %mul3A_417 = arith.muli %add3A_332, %mul3A_416 : i32
        %get3A_418 = arith.constant 0 : i32
        %get3A_419 = arith.constant 7 : i32
        %get3A_420 = arith.index_cast %get3A_418 : i32 to index
        %get3A_421 = arith.index_cast %get3A_419 : i32 to index
        %get3A_422 = arith.index_cast %mul3A_417 : i32 to index
        %get3A_423 = tpu.vector_load %arg4[%get3A_420, %get3A_421, %get3A_422] {strides = array<i32>} : memref<2x8x1408xf32, #tpu.memory_space<vmem>>, vector<16xf32>,
        %gt3A_424 = arith.cmpf ogt, %get3A_423, %scan3A_320 : vector<16xf32>
        %select_n3A_425 = arith.select %gt3A_424, %get3A_423, %scan3A_320 : vector<16xi1>, vector<16xf32>
        %broadcast_in_dim3A_426 = vector.broadcast %add3A_333 : i32 to vector<16xi32>
        %select_n3A_427 = arith.select %gt3A_424, %broadcast_in_dim3A_426, %scan3A_328 : vector<16xi1>, vector<16xi32>
        %mul3A_428 = arith.constant 2 : i32
        %mul3A_429 = arith.muli %scan3A_312, %mul3A_428 : i32
        %add3A_430 = arith.constant 1 : i32
        %add3A_431 = arith.addi %mul3A_429, %add3A_430 : i32
        %add3A_432 = arith.addi %mul3A_210, %add3A_431 : i32
        %mul3A_433 = arith.constant 16 : i32
        %mul3A_434 = arith.muli %add3A_431, %mul3A_433 : i32
        %get3A_435 = arith.constant 0 : i32
        %get3A_436 = arith.constant 0 : i32
        %get3A_437 = arith.index_cast %get3A_435 : i32 to index
        %get3A_438 = arith.index_cast %get3A_436 : i32 to index
        %get3A_439 = arith.index_cast %mul3A_434 : i32 to index
        %get3A_440 = tpu.vector_load %arg4[%get3A_437, %get3A_438, %get3A_439] {strides = array<i32>} : memref<2x8x1408xf32, #tpu.memory_space<vmem>>, vector<16xf32>,
        %gt3A_441 = arith.cmpf ogt, %get3A_440, %select_n3A_341 : vector<16xf32>
        %select_n3A_442 = arith.select %gt3A_441, %get3A_440, %select_n3A_341 : vector<16xi1>, vector<16xf32>
        %broadcast_in_dim3A_443 = vector.broadcast %add3A_432 : i32 to vector<16xi32>
        %select_n3A_444 = arith.select %gt3A_441, %broadcast_in_dim3A_443, %select_n3A_343 : vector<16xi1>, vector<16xi32>
        %mul3A_445 = arith.constant 16 : i32
        %mul3A_446 = arith.muli %add3A_431, %mul3A_445 : i32
        %get3A_447 = arith.constant 0 : i32
        %get3A_448 = arith.constant 1 : i32
        %get3A_449 = arith.index_cast %get3A_447 : i32 to index
        %get3A_450 = arith.index_cast %get3A_448 : i32 to index
        %get3A_451 = arith.index_cast %mul3A_446 : i32 to index
        %get3A_452 = tpu.vector_load %arg4[%get3A_449, %get3A_450, %get3A_451] {strides = array<i32>} : memref<2x8x1408xf32, #tpu.memory_space<vmem>>, vector<16xf32>,
        %gt3A_453 = arith.cmpf ogt, %get3A_452, %select_n3A_353 : vector<16xf32>
        %select_n3A_454 = arith.select %gt3A_453, %get3A_452, %select_n3A_353 : vector<16xi1>, vector<16xf32>
        %broadcast_in_dim3A_455 = vector.broadcast %add3A_432 : i32 to vector<16xi32>
        %select_n3A_456 = arith.select %gt3A_453, %broadcast_in_dim3A_455, %select_n3A_355 : vector<16xi1>, vector<16xi32>
        %mul3A_457 = arith.constant 16 : i32
        %mul3A_458 = arith.muli %add3A_431, %mul3A_457 : i32
        %get3A_459 = arith.constant 0 : i32
        %get3A_460 = arith.constant 2 : i32
        %get3A_461 = arith.index_cast %get3A_459 : i32 to index
        %get3A_462 = arith.index_cast %get3A_460 : i32 to index
        %get3A_463 = arith.index_cast %mul3A_458 : i32 to index
        %get3A_464 = tpu.vector_load %arg4[%get3A_461, %get3A_462, %get3A_463] {strides = array<i32>} : memref<2x8x1408xf32, #tpu.memory_space<vmem>>, vector<16xf32>,
        %gt3A_465 = arith.cmpf ogt, %get3A_464, %select_n3A_365 : vector<16xf32>
        %select_n3A_466 = arith.select %gt3A_465, %get3A_464, %select_n3A_365 : vector<16xi1>, vector<16xf32>
        %broadcast_in_dim3A_467 = vector.broadcast %add3A_432 : i32 to vector<16xi32>
        %select_n3A_468 = arith.select %gt3A_465, %broadcast_in_dim3A_467, %select_n3A_367 : vector<16xi1>, vector<16xi32>
        %mul3A_469 = arith.constant 16 : i32
        %mul3A_470 = arith.muli %add3A_431, %mul3A_469 : i32
        %get3A_471 = arith.constant 0 : i32
        %get3A_472 = arith.constant 3 : i32
        %get3A_473 = arith.index_cast %get3A_471 : i32 to index
        %get3A_474 = arith.index_cast %get3A_472 : i32 to index
        %get3A_475 = arith.index_cast %mul3A_470 : i32 to index
        %get3A_476 = tpu.vector_load %arg4[%get3A_473, %get3A_474, %get3A_475] {strides = array<i32>} : memref<2x8x1408xf32, #tpu.memory_space<vmem>>, vector<16xf32>,
        %gt3A_477 = arith.cmpf ogt, %get3A_476, %select_n3A_377 : vector<16xf32>
        %select_n3A_478 = arith.select %gt3A_477, %get3A_476, %select_n3A_377 : vector<16xi1>, vector<16xf32>
        %broadcast_in_dim3A_479 = vector.broadcast %add3A_432 : i32 to vector<16xi32>
        %select_n3A_480 = arith.select %gt3A_477, %broadcast_in_dim3A_479, %select_n3A_379 : vector<16xi1>, vector<16xi32>
        %mul3A_481 = arith.constant 16 : i32
        %mul3A_482 = arith.muli %add3A_431, %mul3A_481 : i32
        %get3A_483 = arith.constant 0 : i32
        %get3A_484 = arith.constant 4 : i32
        %get3A_485 = arith.index_cast %get3A_483 : i32 to index
        %get3A_486 = arith.index_cast %get3A_484 : i32 to index
        %get3A_487 = arith.index_cast %mul3A_482 : i32 to index
        %get3A_488 = tpu.vector_load %arg4[%get3A_485, %get3A_486, %get3A_487] {strides = array<i32>} : memref<2x8x1408xf32, #tpu.memory_space<vmem>>, vector<16xf32>,
        %gt3A_489 = arith.cmpf ogt, %get3A_488, %select_n3A_389 : vector<16xf32>
        %select_n3A_490 = arith.select %gt3A_489, %get3A_488, %select_n3A_389 : vector<16xi1>, vector<16xf32>
        %broadcast_in_dim3A_491 = vector.broadcast %add3A_432 : i32 to vector<16xi32>
        %select_n3A_492 = arith.select %gt3A_489, %broadcast_in_dim3A_491, %select_n3A_391 : vector<16xi1>, vector<16xi32>
        %mul3A_493 = arith.constant 16 : i32
        %mul3A_494 = arith.muli %add3A_431, %mul3A_493 : i32
        %get3A_495 = arith.constant 0 : i32
        %get3A_496 = arith.constant 5 : i32
        %get3A_497 = arith.index_cast %get3A_495 : i32 to index
        %get3A_498 = arith.index_cast %get3A_496 : i32 to index
        %get3A_499 = arith.index_cast %mul3A_494 : i32 to index
        %get3A_500 = tpu.vector_load %arg4[%get3A_497, %get3A_498, %get3A_499] {strides = array<i32>} : memref<2x8x1408xf32, #tpu.memory_space<vmem>>, vector<16xf32>,
        %gt3A_501 = arith.cmpf ogt, %get3A_500, %select_n3A_401 : vector<16xf32>
        %select_n3A_502 = arith.select %gt3A_501, %get3A_500, %select_n3A_401 : vector<16xi1>, vector<16xf32>
        %broadcast_in_dim3A_503 = vector.broadcast %add3A_432 : i32 to vector<16xi32>
        %select_n3A_504 = arith.select %gt3A_501, %broadcast_in_dim3A_503, %select_n3A_403 : vector<16xi1>, vector<16xi32>
        %mul3A_505 = arith.constant 16 : i32
        %mul3A_506 = arith.muli %add3A_431, %mul3A_505 : i32
        %get3A_507 = arith.constant 0 : i32
        %get3A_508 = arith.constant 6 : i32
        %get3A_509 = arith.index_cast %get3A_507 : i32 to index
        %get3A_510 = arith.index_cast %get3A_508 : i32 to index
        %get3A_511 = arith.index_cast %mul3A_506 : i32 to index
        %get3A_512 = tpu.vector_load %arg4[%get3A_509, %get3A_510, %get3A_511] {strides = array<i32>} : memref<2x8x1408xf32, #tpu.memory_space<vmem>>, vector<16xf32>,
        %gt3A_513 = arith.cmpf ogt, %get3A_512, %select_n3A_413 : vector<16xf32>
        %select_n3A_514 = arith.select %gt3A_513, %get3A_512, %select_n3A_413 : vector<16xi1>, vector<16xf32>
        %broadcast_in_dim3A_515 = vector.broadcast %add3A_432 : i32 to vector<16xi32>
        %select_n3A_516 = arith.select %gt3A_513, %broadcast_in_dim3A_515, %select_n3A_415 : vector<16xi1>, vector<16xi32>
        %mul3A_517 = arith.constant 16 : i32
        %mul3A_518 = arith.muli %add3A_431, %mul3A_517 : i32
        %get3A_519 = arith.constant 0 : i32
        %get3A_520 = arith.constant 7 : i32
        %get3A_521 = arith.index_cast %get3A_519 : i32 to index
        %get3A_522 = arith.index_cast %get3A_520 : i32 to index
        %get3A_523 = arith.index_cast %mul3A_518 : i32 to index
        %get3A_524 = tpu.vector_load %arg4[%get3A_521, %get3A_522, %get3A_523] {strides = array<i32>} : memref<2x8x1408xf32, #tpu.memory_space<vmem>>, vector<16xf32>,
        %gt3A_525 = arith.cmpf ogt, %get3A_524, %select_n3A_425 : vector<16xf32>
        %select_n3A_526 = arith.select %gt3A_525, %get3A_524, %select_n3A_425 : vector<16xi1>, vector<16xf32>
        %broadcast_in_dim3A_527 = vector.broadcast %add3A_432 : i32 to vector<16xi32>
        %select_n3A_528 = arith.select %gt3A_525, %broadcast_in_dim3A_527, %select_n3A_427 : vector<16xi1>, vector<16xi32>
        scf.yield %select_n3A_442, %select_n3A_454, %select_n3A_466, %select_n3A_478, %select_n3A_490, %select_n3A_502, %select_n3A_514, %select_n3A_526, %select_n3A_444, %select_n3A_456, %select_n3A_468, %select_n3A_480, %select_n3A_492, %select_n3A_504, %select_n3A_516, %select_n3A_528 : vector<16xf32>, vector<16xf32>, vector<16xf32>, vector<16xf32>, vector<16xf32>, vector<16xf32>, vector<16xf32>, vector<16xf32>, vector<16xi32>, vector<16xi32>, vector<16xi32>, vector<16xi32>, vector<16xi32>, vector<16xi32>, vector<16xi32>, vector<16xi32>
      }
      %scan3A_216 = arith.constant 44 : i32
      %lt3A = arith.constant 4 : i32
      %lt3A_217 = arith.cmpi slt, %scan3A_178, %lt3A : i32
      %convert_element_type3A = arith.extui %lt3A_217 : i1 to i32
      %cond3A = arith.constant 0 : i32
      %cond3A_218 = arith.cmpi ne, %convert_element_type3A, %cond3A : i32
      scf.if %cond3A_218 {
        %mul3A_312 = arith.constant 8 : i32
        %mul3A_313 = arith.muli %scan3A_178, %mul3A_312 : i32
        %add3A_314 = arith.addi %mul3A_2, %mul3A_313 : i32
        %mul3A_315 = arith.constant 1408 : i32
        %mul3A_316 = arith.muli %scan3A_179, %mul3A_315 : i32
        %dma_start3A_317 = arith.constant 0 : i32
        %dma_start3A_318 = arith.constant 0 : i32
        %dma_start3A_319 = arith.constant 0 : i32
        %dma_start3A_320 = tpu.memref_slice %arg4[%dma_start3A_317, %dma_start3A_318, %dma_start3A_319] : memref<2x8x1408xf32, #tpu.memory_space<vmem>> -> memref<1x8x1408xf32, #tpu.memory_space<vmem>>
        %dma_start3A_321 = tpu.memref_squeeze %dma_start3A_320 : memref<1x8x1408xf32, #tpu.memory_space<vmem>> -> memref<8x1408xf32, #tpu.memory_space<vmem>>
        %dma_start3A_322 = tpu.memref_slice %arg2[%add3A_314, %mul3A_316] : memref<1024x100000xf32, #tpu.memory_space<hbm>> -> memref<8x1408xf32, #tpu.memory_space<hbm>>
        %dma_start3A_323 = arith.constant 0 : i32
        %dma_start3A_324 = arith.constant 0 : i32
        %dma_start3A_325 = tpu.memref_slice %arg4[%dma_start3A_317, %dma_start3A_323, %dma_start3A_324] : memref<2x8x1408xf32, #tpu.memory_space<vmem>> -> memref<1x8x1408xf32, #tpu.memory_space<vmem>>
        %dma_start3A_326 = tpu.memref_squeeze %dma_start3A_325 : memref<1x8x1408xf32, #tpu.memory_space<vmem>> -> memref<8x1408xf32, #tpu.memory_space<vmem>>
        %dma_start3A_327 = tpu.memref_slice %arg2[%add3A_314, %mul3A_316] : memref<1024x100000xf32, #tpu.memory_space<hbm>> -> memref<8x1408xf32, #tpu.memory_space<hbm>>
        tpu.enqueue_dma source(%dma_start3A_327 : memref<8x1408xf32, #tpu.memory_space<hbm>>) target(%dma_start3A_326 : memref<8x1408xf32, #tpu.memory_space<vmem>>) target_semaphore(%arg7 : memref<!tpu.dma_semaphore, #tpu.memory_space<semaphore_mem>>)
      } else {
      }
      %eq3A_219 = arith.constant 70 : i32
      %eq3A_220 = arith.cmpi eq, %scan3A_177, %eq3A_219 : i32
      %convert_element_type3A_221 = arith.extui %eq3A_220 : i1 to i32
      %cond3A_222 = arith.constant 0 : i32
      %cond3A_223 = arith.cmpi ne, %convert_element_type3A_221, %cond3A_222 : i32
      scf.if %cond3A_223 {
        %ge3A = arith.constant 2 : i32
        %ge3A_312 = arith.cmpi sge, %scan3A_176, %ge3A : i32
        %jit3A_313 = arith.constant 16 : i32
        %jit3A_314 = arith.constant 0 : i32
        %select_n3A_315 = arith.select %ge3A_312, %jit3A_313, %jit3A_314 : i32
        %get3A = arith.index_cast %select_n3A_315 : i32 to index
        %get3A_316 = tpu.vector_load %arg6[%get3A] {strides = array<i32>} : memref<32xi32, #tpu.memory_space<vmem>>, vector<16xi32>,
        %and3A = arith.constant 1 : i32
        %and3A_317 = arith.andi %scan3A_176, %and3A : i32
        %eq3A_318 = arith.constant 1 : i32
        %eq3A_319 = arith.cmpi eq, %and3A_317, %eq3A_318 : i32
        %jit3A_320 = arith.constant 8 : i32
        %jit3A_321 = arith.constant 0 : i32
        %select_n3A_322 = arith.select %eq3A_319, %jit3A_320, %jit3A_321 : i32
        %get3A_323 = arith.constant 0 : i32
        %get3A_324 = arith.index_cast %scan3A_176 : i32 to index
        %get3A_325 = arith.index_cast %get3A_323 : i32 to index
        %get3A_326 = arith.constant 0 : index
        %get3A_327 = tpu.vector_load %arg5[%get3A_324, %get3A_325, %get3A_326] {strides = array<i32>} : memref<4x8x32xf32, #tpu.memory_space<vmem>>, vector<16xf32>,
        %broadcast_in_dim3A_328 = arith.constant 6248 : i32
        %broadcast_in_dim3A_329 = vector.broadcast %broadcast_in_dim3A_328 : i32 to vector<16xi32>
        %gt3A = arith.cmpf ogt, %get3A_327, %scan3A_215#0 : vector<16xf32>
        %select_n3A_330 = arith.select %gt3A, %get3A_327, %scan3A_215#0 : vector<16xi1>, vector<16xf32>
        %select_n3A_331 = arith.select %gt3A, %broadcast_in_dim3A_329, %scan3A_215#8 : vector<16xi1>, vector<16xi32>
        %get3A_332 = arith.constant 0 : i32
        %get3A_333 = arith.index_cast %scan3A_176 : i32 to index
        %get3A_334 = arith.index_cast %get3A_332 : i32 to index
        %get3A_335 = arith.constant 16 : index
        %get3A_336 = tpu.vector_load %arg5[%get3A_333, %get3A_334, %get3A_335] {strides = array<i32>} : memref<4x8x32xf32, #tpu.memory_space<vmem>>, vector<16xf32>,
        %broadcast_in_dim3A_337 = arith.constant 6249 : i32
        %broadcast_in_dim3A_338 = vector.broadcast %broadcast_in_dim3A_337 : i32 to vector<16xi32>
        %gt3A_339 = arith.cmpf ogt, %get3A_336, %select_n3A_330 : vector<16xf32>
        %select_n3A_340 = arith.select %gt3A_339, %get3A_336, %select_n3A_330 : vector<16xi1>, vector<16xf32>
        %select_n3A_341 = arith.select %gt3A_339, %broadcast_in_dim3A_338, %select_n3A_331 : vector<16xi1>, vector<16xi32>
        %reduce_max3A = arith.constant true
        %reduce_max3A_342 = vector.broadcast %reduce_max3A : i1 to vector<16xi1>
        %reduce_max3A_343 = tpu.scan <max>, %select_n3A_340 masked %reduce_max3A_342 : vector<16xf32>, vector<16xi1> -> vector<16xf32>
        %reduce_max3A_344 = vector.extract %reduce_max3A_343[15] : f32 from vector<16xf32>
        %mul3A_345 = arith.constant 16 : i32
        %mul3A_346 = vector.broadcast %mul3A_345 : i32 to vector<16xi32>
        %mul3A_347 = arith.muli %select_n3A_341, %mul3A_346 : vector<16xi32>
        %add3A_348 = arith.addi %mul3A_347, %iota3A : vector<16xi32>
        %eq3A_349 = vector.broadcast %reduce_max3A_344 : f32 to vector<16xf32>
        %eq3A_350 = arith.cmpf oeq, %select_n3A_340, %eq3A_349 : vector<16xf32>
        %jit3A_351 = arith.constant 1073741824 : i32
        %broadcast_in_dim3A_352 = vector.broadcast %jit3A_351 : i32 to vector<16xi32>
        %select_n3A_353 = arith.select %eq3A_350, %add3A_348, %broadcast_in_dim3A_352 : vector<16xi1>, vector<16xi32>
        %reduce_min3A = arith.constant true
        %reduce_min3A_354 = vector.broadcast %reduce_min3A : i1 to vector<16xi1>
        %reduce_min3A_355 = arith.constant -2147483648 : i32
        %reduce_min3A_356 = vector.broadcast %reduce_min3A_355 : i32 to vector<16xi32>
        %reduce_min3A_357 = arith.xori %select_n3A_353, %reduce_min3A_356 : vector<16xi32>
        %reduce_min3A_358 = tpu.scan <min>, %reduce_min3A_357 masked %reduce_min3A_354 : vector<16xi32>, vector<16xi1> -> vector<16xi32>
        %reduce_min3A_359 = arith.xori %reduce_min3A_358, %reduce_min3A_356 : vector<16xi32>
        %reduce_min3A_360 = vector.extract %reduce_min3A_359[15] : i32 from vector<16xi32>
        %add3A_361 = arith.constant 0 : i32
        %add3A_362 = arith.addi %select_n3A_322, %add3A_361 : i32
        %eq3A_363 = vector.broadcast %add3A_362 : i32 to vector<16xi32>
        %eq3A_364 = arith.cmpi eq, %iota3A, %eq3A_363 : vector<16xi32>
        %broadcast_in_dim3A_365 = vector.broadcast %reduce_min3A_360 : i32 to vector<16xi32>
        %select_n3A_366 = arith.select %eq3A_364, %broadcast_in_dim3A_365, %get3A_316 : vector<16xi1>, vector<16xi32>
        %get3A_367 = arith.constant 1 : i32
        %get3A_368 = arith.index_cast %scan3A_176 : i32 to index
        %get3A_369 = arith.index_cast %get3A_367 : i32 to index
        %get3A_370 = arith.constant 0 : index
        %get3A_371 = tpu.vector_load %arg5[%get3A_368, %get3A_369, %get3A_370] {strides = array<i32>} : memref<4x8x32xf32, #tpu.memory_space<vmem>>, vector<16xf32>,
        %broadcast_in_dim3A_372 = arith.constant 6248 : i32
        %broadcast_in_dim3A_373 = vector.broadcast %broadcast_in_dim3A_372 : i32 to vector<16xi32>
        %gt3A_374 = arith.cmpf ogt, %get3A_371, %scan3A_215#1 : vector<16xf32>
        %select_n3A_375 = arith.select %gt3A_374, %get3A_371, %scan3A_215#1 : vector<16xi1>, vector<16xf32>
        %select_n3A_376 = arith.select %gt3A_374, %broadcast_in_dim3A_373, %scan3A_215#9 : vector<16xi1>, vector<16xi32>
        %get3A_377 = arith.constant 1 : i32
        %get3A_378 = arith.index_cast %scan3A_176 : i32 to index
        %get3A_379 = arith.index_cast %get3A_377 : i32 to index
        %get3A_380 = arith.constant 16 : index
        %get3A_381 = tpu.vector_load %arg5[%get3A_378, %get3A_379, %get3A_380] {strides = array<i32>} : memref<4x8x32xf32, #tpu.memory_space<vmem>>, vector<16xf32>,
        %broadcast_in_dim3A_382 = arith.constant 6249 : i32
        %broadcast_in_dim3A_383 = vector.broadcast %broadcast_in_dim3A_382 : i32 to vector<16xi32>
        %gt3A_384 = arith.cmpf ogt, %get3A_381, %select_n3A_375 : vector<16xf32>
        %select_n3A_385 = arith.select %gt3A_384, %get3A_381, %select_n3A_375 : vector<16xi1>, vector<16xf32>
        %select_n3A_386 = arith.select %gt3A_384, %broadcast_in_dim3A_383, %select_n3A_376 : vector<16xi1>, vector<16xi32>
        %reduce_max3A_387 = arith.constant true
        %reduce_max3A_388 = vector.broadcast %reduce_max3A_387 : i1 to vector<16xi1>
        %reduce_max3A_389 = tpu.scan <max>, %select_n3A_385 masked %reduce_max3A_388 : vector<16xf32>, vector<16xi1> -> vector<16xf32>
        %reduce_max3A_390 = vector.extract %reduce_max3A_389[15] : f32 from vector<16xf32>
        %mul3A_391 = arith.constant 16 : i32
        %mul3A_392 = vector.broadcast %mul3A_391 : i32 to vector<16xi32>
        %mul3A_393 = arith.muli %select_n3A_386, %mul3A_392 : vector<16xi32>
        %add3A_394 = arith.addi %mul3A_393, %iota3A : vector<16xi32>
        %eq3A_395 = vector.broadcast %reduce_max3A_390 : f32 to vector<16xf32>
        %eq3A_396 = arith.cmpf oeq, %select_n3A_385, %eq3A_395 : vector<16xf32>
        %jit3A_397 = arith.constant 1073741824 : i32
        %broadcast_in_dim3A_398 = vector.broadcast %jit3A_397 : i32 to vector<16xi32>
        %select_n3A_399 = arith.select %eq3A_396, %add3A_394, %broadcast_in_dim3A_398 : vector<16xi1>, vector<16xi32>
        %reduce_min3A_400 = arith.constant true
        %reduce_min3A_401 = vector.broadcast %reduce_min3A_400 : i1 to vector<16xi1>
        %reduce_min3A_402 = arith.constant -2147483648 : i32
        %reduce_min3A_403 = vector.broadcast %reduce_min3A_402 : i32 to vector<16xi32>
        %reduce_min3A_404 = arith.xori %select_n3A_399, %reduce_min3A_403 : vector<16xi32>
        %reduce_min3A_405 = tpu.scan <min>, %reduce_min3A_404 masked %reduce_min3A_401 : vector<16xi32>, vector<16xi1> -> vector<16xi32>
        %reduce_min3A_406 = arith.xori %reduce_min3A_405, %reduce_min3A_403 : vector<16xi32>
        %reduce_min3A_407 = vector.extract %reduce_min3A_406[15] : i32 from vector<16xi32>
        %add3A_408 = arith.constant 1 : i32
        %add3A_409 = arith.addi %select_n3A_322, %add3A_408 : i32
        %eq3A_410 = vector.broadcast %add3A_409 : i32 to vector<16xi32>
        %eq3A_411 = arith.cmpi eq, %iota3A, %eq3A_410 : vector<16xi32>
        %broadcast_in_dim3A_412 = vector.broadcast %reduce_min3A_407 : i32 to vector<16xi32>
        %select_n3A_413 = arith.select %eq3A_411, %broadcast_in_dim3A_412, %select_n3A_366 : vector<16xi1>, vector<16xi32>
        %get3A_414 = arith.constant 2 : i32
        %get3A_415 = arith.index_cast %scan3A_176 : i32 to index
        %get3A_416 = arith.index_cast %get3A_414 : i32 to index
        %get3A_417 = arith.constant 0 : index
        %get3A_418 = tpu.vector_load %arg5[%get3A_415, %get3A_416, %get3A_417] {strides = array<i32>} : memref<4x8x32xf32, #tpu.memory_space<vmem>>, vector<16xf32>,
        %broadcast_in_dim3A_419 = arith.constant 6248 : i32
        %broadcast_in_dim3A_420 = vector.broadcast %broadcast_in_dim3A_419 : i32 to vector<16xi32>
        %gt3A_421 = arith.cmpf ogt, %get3A_418, %scan3A_215#2 : vector<16xf32>
        %select_n3A_422 = arith.select %gt3A_421, %get3A_418, %scan3A_215#2 : vector<16xi1>, vector<16xf32>
        %select_n3A_423 = arith.select %gt3A_421, %broadcast_in_dim3A_420, %scan3A_215#10 : vector<16xi1>, vector<16xi32>
        %get3A_424 = arith.constant 2 : i32
        %get3A_425 = arith.index_cast %scan3A_176 : i32 to index
        %get3A_426 = arith.index_cast %get3A_424 : i32 to index
        %get3A_427 = arith.constant 16 : index
        %get3A_428 = tpu.vector_load %arg5[%get3A_425, %get3A_426, %get3A_427] {strides = array<i32>} : memref<4x8x32xf32, #tpu.memory_space<vmem>>, vector<16xf32>,
        %broadcast_in_dim3A_429 = arith.constant 6249 : i32
        %broadcast_in_dim3A_430 = vector.broadcast %broadcast_in_dim3A_429 : i32 to vector<16xi32>
        %gt3A_431 = arith.cmpf ogt, %get3A_428, %select_n3A_422 : vector<16xf32>
        %select_n3A_432 = arith.select %gt3A_431, %get3A_428, %select_n3A_422 : vector<16xi1>, vector<16xf32>
        %select_n3A_433 = arith.select %gt3A_431, %broadcast_in_dim3A_430, %select_n3A_423 : vector<16xi1>, vector<16xi32>
        %reduce_max3A_434 = arith.constant true
        %reduce_max3A_435 = vector.broadcast %reduce_max3A_434 : i1 to vector<16xi1>
        %reduce_max3A_436 = tpu.scan <max>, %select_n3A_432 masked %reduce_max3A_435 : vector<16xf32>, vector<16xi1> -> vector<16xf32>
        %reduce_max3A_437 = vector.extract %reduce_max3A_436[15] : f32 from vector<16xf32>
        %mul3A_438 = arith.constant 16 : i32
        %mul3A_439 = vector.broadcast %mul3A_438 : i32 to vector<16xi32>
        %mul3A_440 = arith.muli %select_n3A_433, %mul3A_439 : vector<16xi32>
        %add3A_441 = arith.addi %mul3A_440, %iota3A : vector<16xi32>
        %eq3A_442 = vector.broadcast %reduce_max3A_437 : f32 to vector<16xf32>
        %eq3A_443 = arith.cmpf oeq, %select_n3A_432, %eq3A_442 : vector<16xf32>
        %jit3A_444 = arith.constant 1073741824 : i32
        %broadcast_in_dim3A_445 = vector.broadcast %jit3A_444 : i32 to vector<16xi32>
        %select_n3A_446 = arith.select %eq3A_443, %add3A_441, %broadcast_in_dim3A_445 : vector<16xi1>, vector<16xi32>
        %reduce_min3A_447 = arith.constant true
        %reduce_min3A_448 = vector.broadcast %reduce_min3A_447 : i1 to vector<16xi1>
        %reduce_min3A_449 = arith.constant -2147483648 : i32
        %reduce_min3A_450 = vector.broadcast %reduce_min3A_449 : i32 to vector<16xi32>
        %reduce_min3A_451 = arith.xori %select_n3A_446, %reduce_min3A_450 : vector<16xi32>
        %reduce_min3A_452 = tpu.scan <min>, %reduce_min3A_451 masked %reduce_min3A_448 : vector<16xi32>, vector<16xi1> -> vector<16xi32>
        %reduce_min3A_453 = arith.xori %reduce_min3A_452, %reduce_min3A_450 : vector<16xi32>
        %reduce_min3A_454 = vector.extract %reduce_min3A_453[15] : i32 from vector<16xi32>
        %add3A_455 = arith.constant 2 : i32
        %add3A_456 = arith.addi %select_n3A_322, %add3A_455 : i32
        %eq3A_457 = vector.broadcast %add3A_456 : i32 to vector<16xi32>
        %eq3A_458 = arith.cmpi eq, %iota3A, %eq3A_457 : vector<16xi32>
        %broadcast_in_dim3A_459 = vector.broadcast %reduce_min3A_454 : i32 to vector<16xi32>
        %select_n3A_460 = arith.select %eq3A_458, %broadcast_in_dim3A_459, %select_n3A_413 : vector<16xi1>, vector<16xi32>
        %get3A_461 = arith.constant 3 : i32
        %get3A_462 = arith.index_cast %scan3A_176 : i32 to index
        %get3A_463 = arith.index_cast %get3A_461 : i32 to index
        %get3A_464 = arith.constant 0 : index
        %get3A_465 = tpu.vector_load %arg5[%get3A_462, %get3A_463, %get3A_464] {strides = array<i32>} : memref<4x8x32xf32, #tpu.memory_space<vmem>>, vector<16xf32>,
        %broadcast_in_dim3A_466 = arith.constant 6248 : i32
        %broadcast_in_dim3A_467 = vector.broadcast %broadcast_in_dim3A_466 : i32 to vector<16xi32>
        %gt3A_468 = arith.cmpf ogt, %get3A_465, %scan3A_215#3 : vector<16xf32>
        %select_n3A_469 = arith.select %gt3A_468, %get3A_465, %scan3A_215#3 : vector<16xi1>, vector<16xf32>
        %select_n3A_470 = arith.select %gt3A_468, %broadcast_in_dim3A_467, %scan3A_215#11 : vector<16xi1>, vector<16xi32>
        %get3A_471 = arith.constant 3 : i32
        %get3A_472 = arith.index_cast %scan3A_176 : i32 to index
        %get3A_473 = arith.index_cast %get3A_471 : i32 to index
        %get3A_474 = arith.constant 16 : index
        %get3A_475 = tpu.vector_load %arg5[%get3A_472, %get3A_473, %get3A_474] {strides = array<i32>} : memref<4x8x32xf32, #tpu.memory_space<vmem>>, vector<16xf32>,
        %broadcast_in_dim3A_476 = arith.constant 6249 : i32
        %broadcast_in_dim3A_477 = vector.broadcast %broadcast_in_dim3A_476 : i32 to vector<16xi32>
        %gt3A_478 = arith.cmpf ogt, %get3A_475, %select_n3A_469 : vector<16xf32>
        %select_n3A_479 = arith.select %gt3A_478, %get3A_475, %select_n3A_469 : vector<16xi1>, vector<16xf32>
        %select_n3A_480 = arith.select %gt3A_478, %broadcast_in_dim3A_477, %select_n3A_470 : vector<16xi1>, vector<16xi32>
        %reduce_max3A_481 = arith.constant true
        %reduce_max3A_482 = vector.broadcast %reduce_max3A_481 : i1 to vector<16xi1>
        %reduce_max3A_483 = tpu.scan <max>, %select_n3A_479 masked %reduce_max3A_482 : vector<16xf32>, vector<16xi1> -> vector<16xf32>
        %reduce_max3A_484 = vector.extract %reduce_max3A_483[15] : f32 from vector<16xf32>
        %mul3A_485 = arith.constant 16 : i32
        %mul3A_486 = vector.broadcast %mul3A_485 : i32 to vector<16xi32>
        %mul3A_487 = arith.muli %select_n3A_480, %mul3A_486 : vector<16xi32>
        %add3A_488 = arith.addi %mul3A_487, %iota3A : vector<16xi32>
        %eq3A_489 = vector.broadcast %reduce_max3A_484 : f32 to vector<16xf32>
        %eq3A_490 = arith.cmpf oeq, %select_n3A_479, %eq3A_489 : vector<16xf32>
        %jit3A_491 = arith.constant 1073741824 : i32
        %broadcast_in_dim3A_492 = vector.broadcast %jit3A_491 : i32 to vector<16xi32>
        %select_n3A_493 = arith.select %eq3A_490, %add3A_488, %broadcast_in_dim3A_492 : vector<16xi1>, vector<16xi32>
        %reduce_min3A_494 = arith.constant true
        %reduce_min3A_495 = vector.broadcast %reduce_min3A_494 : i1 to vector<16xi1>
        %reduce_min3A_496 = arith.constant -2147483648 : i32
        %reduce_min3A_497 = vector.broadcast %reduce_min3A_496 : i32 to vector<16xi32>
        %reduce_min3A_498 = arith.xori %select_n3A_493, %reduce_min3A_497 : vector<16xi32>
        %reduce_min3A_499 = tpu.scan <min>, %reduce_min3A_498 masked %reduce_min3A_495 : vector<16xi32>, vector<16xi1> -> vector<16xi32>
        %reduce_min3A_500 = arith.xori %reduce_min3A_499, %reduce_min3A_497 : vector<16xi32>
        %reduce_min3A_501 = vector.extract %reduce_min3A_500[15] : i32 from vector<16xi32>
        %add3A_502 = arith.constant 3 : i32
        %add3A_503 = arith.addi %select_n3A_322, %add3A_502 : i32
        %eq3A_504 = vector.broadcast %add3A_503 : i32 to vector<16xi32>
        %eq3A_505 = arith.cmpi eq, %iota3A, %eq3A_504 : vector<16xi32>
        %broadcast_in_dim3A_506 = vector.broadcast %reduce_min3A_501 : i32 to vector<16xi32>
        %select_n3A_507 = arith.select %eq3A_505, %broadcast_in_dim3A_506, %select_n3A_460 : vector<16xi1>, vector<16xi32>
        %get3A_508 = arith.constant 4 : i32
        %get3A_509 = arith.index_cast %scan3A_176 : i32 to index
        %get3A_510 = arith.index_cast %get3A_508 : i32 to index
        %get3A_511 = arith.constant 0 : index
        %get3A_512 = tpu.vector_load %arg5[%get3A_509, %get3A_510, %get3A_511] {strides = array<i32>} : memref<4x8x32xf32, #tpu.memory_space<vmem>>, vector<16xf32>,
        %broadcast_in_dim3A_513 = arith.constant 6248 : i32
        %broadcast_in_dim3A_514 = vector.broadcast %broadcast_in_dim3A_513 : i32 to vector<16xi32>
        %gt3A_515 = arith.cmpf ogt, %get3A_512, %scan3A_215#4 : vector<16xf32>
        %select_n3A_516 = arith.select %gt3A_515, %get3A_512, %scan3A_215#4 : vector<16xi1>, vector<16xf32>
        %select_n3A_517 = arith.select %gt3A_515, %broadcast_in_dim3A_514, %scan3A_215#12 : vector<16xi1>, vector<16xi32>
        %get3A_518 = arith.constant 4 : i32
        %get3A_519 = arith.index_cast %scan3A_176 : i32 to index
        %get3A_520 = arith.index_cast %get3A_518 : i32 to index
        %get3A_521 = arith.constant 16 : index
        %get3A_522 = tpu.vector_load %arg5[%get3A_519, %get3A_520, %get3A_521] {strides = array<i32>} : memref<4x8x32xf32, #tpu.memory_space<vmem>>, vector<16xf32>,
        %broadcast_in_dim3A_523 = arith.constant 6249 : i32
        %broadcast_in_dim3A_524 = vector.broadcast %broadcast_in_dim3A_523 : i32 to vector<16xi32>
        %gt3A_525 = arith.cmpf ogt, %get3A_522, %select_n3A_516 : vector<16xf32>
        %select_n3A_526 = arith.select %gt3A_525, %get3A_522, %select_n3A_516 : vector<16xi1>, vector<16xf32>
        %select_n3A_527 = arith.select %gt3A_525, %broadcast_in_dim3A_524, %select_n3A_517 : vector<16xi1>, vector<16xi32>
        %reduce_max3A_528 = arith.constant true
        %reduce_max3A_529 = vector.broadcast %reduce_max3A_528 : i1 to vector<16xi1>
        %reduce_max3A_530 = tpu.scan <max>, %select_n3A_526 masked %reduce_max3A_529 : vector<16xf32>, vector<16xi1> -> vector<16xf32>
        %reduce_max3A_531 = vector.extract %reduce_max3A_530[15] : f32 from vector<16xf32>
        %mul3A_532 = arith.constant 16 : i32
        %mul3A_533 = vector.broadcast %mul3A_532 : i32 to vector<16xi32>
        %mul3A_534 = arith.muli %select_n3A_527, %mul3A_533 : vector<16xi32>
        %add3A_535 = arith.addi %mul3A_534, %iota3A : vector<16xi32>
        %eq3A_536 = vector.broadcast %reduce_max3A_531 : f32 to vector<16xf32>
        %eq3A_537 = arith.cmpf oeq, %select_n3A_526, %eq3A_536 : vector<16xf32>
        %jit3A_538 = arith.constant 1073741824 : i32
        %broadcast_in_dim3A_539 = vector.broadcast %jit3A_538 : i32 to vector<16xi32>
        %select_n3A_540 = arith.select %eq3A_537, %add3A_535, %broadcast_in_dim3A_539 : vector<16xi1>, vector<16xi32>
        %reduce_min3A_541 = arith.constant true
        %reduce_min3A_542 = vector.broadcast %reduce_min3A_541 : i1 to vector<16xi1>
        %reduce_min3A_543 = arith.constant -2147483648 : i32
        %reduce_min3A_544 = vector.broadcast %reduce_min3A_543 : i32 to vector<16xi32>
        %reduce_min3A_545 = arith.xori %select_n3A_540, %reduce_min3A_544 : vector<16xi32>
        %reduce_min3A_546 = tpu.scan <min>, %reduce_min3A_545 masked %reduce_min3A_542 : vector<16xi32>, vector<16xi1> -> vector<16xi32>
        %reduce_min3A_547 = arith.xori %reduce_min3A_546, %reduce_min3A_544 : vector<16xi32>
        %reduce_min3A_548 = vector.extract %reduce_min3A_547[15] : i32 from vector<16xi32>
        %add3A_549 = arith.constant 4 : i32
        %add3A_550 = arith.addi %select_n3A_322, %add3A_549 : i32
        %eq3A_551 = vector.broadcast %add3A_550 : i32 to vector<16xi32>
        %eq3A_552 = arith.cmpi eq, %iota3A, %eq3A_551 : vector<16xi32>
        %broadcast_in_dim3A_553 = vector.broadcast %reduce_min3A_548 : i32 to vector<16xi32>
        %select_n3A_554 = arith.select %eq3A_552, %broadcast_in_dim3A_553, %select_n3A_507 : vector<16xi1>, vector<16xi32>
        %get3A_555 = arith.constant 5 : i32
        %get3A_556 = arith.index_cast %scan3A_176 : i32 to index
        %get3A_557 = arith.index_cast %get3A_555 : i32 to index
        %get3A_558 = arith.constant 0 : index
        %get3A_559 = tpu.vector_load %arg5[%get3A_556, %get3A_557, %get3A_558] {strides = array<i32>} : memref<4x8x32xf32, #tpu.memory_space<vmem>>, vector<16xf32>,
        %broadcast_in_dim3A_560 = arith.constant 6248 : i32
        %broadcast_in_dim3A_561 = vector.broadcast %broadcast_in_dim3A_560 : i32 to vector<16xi32>
        %gt3A_562 = arith.cmpf ogt, %get3A_559, %scan3A_215#5 : vector<16xf32>
        %select_n3A_563 = arith.select %gt3A_562, %get3A_559, %scan3A_215#5 : vector<16xi1>, vector<16xf32>
        %select_n3A_564 = arith.select %gt3A_562, %broadcast_in_dim3A_561, %scan3A_215#13 : vector<16xi1>, vector<16xi32>
        %get3A_565 = arith.constant 5 : i32
        %get3A_566 = arith.index_cast %scan3A_176 : i32 to index
        %get3A_567 = arith.index_cast %get3A_565 : i32 to index
        %get3A_568 = arith.constant 16 : index
        %get3A_569 = tpu.vector_load %arg5[%get3A_566, %get3A_567, %get3A_568] {strides = array<i32>} : memref<4x8x32xf32, #tpu.memory_space<vmem>>, vector<16xf32>,
        %broadcast_in_dim3A_570 = arith.constant 6249 : i32
        %broadcast_in_dim3A_571 = vector.broadcast %broadcast_in_dim3A_570 : i32 to vector<16xi32>
        %gt3A_572 = arith.cmpf ogt, %get3A_569, %select_n3A_563 : vector<16xf32>
        %select_n3A_573 = arith.select %gt3A_572, %get3A_569, %select_n3A_563 : vector<16xi1>, vector<16xf32>
        %select_n3A_574 = arith.select %gt3A_572, %broadcast_in_dim3A_571, %select_n3A_564 : vector<16xi1>, vector<16xi32>
        %reduce_max3A_575 = arith.constant true
        %reduce_max3A_576 = vector.broadcast %reduce_max3A_575 : i1 to vector<16xi1>
        %reduce_max3A_577 = tpu.scan <max>, %select_n3A_573 masked %reduce_max3A_576 : vector<16xf32>, vector<16xi1> -> vector<16xf32>
        %reduce_max3A_578 = vector.extract %reduce_max3A_577[15] : f32 from vector<16xf32>
        %mul3A_579 = arith.constant 16 : i32
        %mul3A_580 = vector.broadcast %mul3A_579 : i32 to vector<16xi32>
        %mul3A_581 = arith.muli %select_n3A_574, %mul3A_580 : vector<16xi32>
        %add3A_582 = arith.addi %mul3A_581, %iota3A : vector<16xi32>
        %eq3A_583 = vector.broadcast %reduce_max3A_578 : f32 to vector<16xf32>
        %eq3A_584 = arith.cmpf oeq, %select_n3A_573, %eq3A_583 : vector<16xf32>
        %jit3A_585 = arith.constant 1073741824 : i32
        %broadcast_in_dim3A_586 = vector.broadcast %jit3A_585 : i32 to vector<16xi32>
        %select_n3A_587 = arith.select %eq3A_584, %add3A_582, %broadcast_in_dim3A_586 : vector<16xi1>, vector<16xi32>
        %reduce_min3A_588 = arith.constant true
        %reduce_min3A_589 = vector.broadcast %reduce_min3A_588 : i1 to vector<16xi1>
        %reduce_min3A_590 = arith.constant -2147483648 : i32
        %reduce_min3A_591 = vector.broadcast %reduce_min3A_590 : i32 to vector<16xi32>
        %reduce_min3A_592 = arith.xori %select_n3A_587, %reduce_min3A_591 : vector<16xi32>
        %reduce_min3A_593 = tpu.scan <min>, %reduce_min3A_592 masked %reduce_min3A_589 : vector<16xi32>, vector<16xi1> -> vector<16xi32>
        %reduce_min3A_594 = arith.xori %reduce_min3A_593, %reduce_min3A_591 : vector<16xi32>
        %reduce_min3A_595 = vector.extract %reduce_min3A_594[15] : i32 from vector<16xi32>
        %add3A_596 = arith.constant 5 : i32
        %add3A_597 = arith.addi %select_n3A_322, %add3A_596 : i32
        %eq3A_598 = vector.broadcast %add3A_597 : i32 to vector<16xi32>
        %eq3A_599 = arith.cmpi eq, %iota3A, %eq3A_598 : vector<16xi32>
        %broadcast_in_dim3A_600 = vector.broadcast %reduce_min3A_595 : i32 to vector<16xi32>
        %select_n3A_601 = arith.select %eq3A_599, %broadcast_in_dim3A_600, %select_n3A_554 : vector<16xi1>, vector<16xi32>
        %get3A_602 = arith.constant 6 : i32
        %get3A_603 = arith.index_cast %scan3A_176 : i32 to index
        %get3A_604 = arith.index_cast %get3A_602 : i32 to index
        %get3A_605 = arith.constant 0 : index
        %get3A_606 = tpu.vector_load %arg5[%get3A_603, %get3A_604, %get3A_605] {strides = array<i32>} : memref<4x8x32xf32, #tpu.memory_space<vmem>>, vector<16xf32>,
        %broadcast_in_dim3A_607 = arith.constant 6248 : i32
        %broadcast_in_dim3A_608 = vector.broadcast %broadcast_in_dim3A_607 : i32 to vector<16xi32>
        %gt3A_609 = arith.cmpf ogt, %get3A_606, %scan3A_215#6 : vector<16xf32>
        %select_n3A_610 = arith.select %gt3A_609, %get3A_606, %scan3A_215#6 : vector<16xi1>, vector<16xf32>
        %select_n3A_611 = arith.select %gt3A_609, %broadcast_in_dim3A_608, %scan3A_215#14 : vector<16xi1>, vector<16xi32>
        %get3A_612 = arith.constant 6 : i32
        %get3A_613 = arith.index_cast %scan3A_176 : i32 to index
        %get3A_614 = arith.index_cast %get3A_612 : i32 to index
        %get3A_615 = arith.constant 16 : index
        %get3A_616 = tpu.vector_load %arg5[%get3A_613, %get3A_614, %get3A_615] {strides = array<i32>} : memref<4x8x32xf32, #tpu.memory_space<vmem>>, vector<16xf32>,
        %broadcast_in_dim3A_617 = arith.constant 6249 : i32
        %broadcast_in_dim3A_618 = vector.broadcast %broadcast_in_dim3A_617 : i32 to vector<16xi32>
        %gt3A_619 = arith.cmpf ogt, %get3A_616, %select_n3A_610 : vector<16xf32>
        %select_n3A_620 = arith.select %gt3A_619, %get3A_616, %select_n3A_610 : vector<16xi1>, vector<16xf32>
        %select_n3A_621 = arith.select %gt3A_619, %broadcast_in_dim3A_618, %select_n3A_611 : vector<16xi1>, vector<16xi32>
        %reduce_max3A_622 = arith.constant true
        %reduce_max3A_623 = vector.broadcast %reduce_max3A_622 : i1 to vector<16xi1>
        %reduce_max3A_624 = tpu.scan <max>, %select_n3A_620 masked %reduce_max3A_623 : vector<16xf32>, vector<16xi1> -> vector<16xf32>
        %reduce_max3A_625 = vector.extract %reduce_max3A_624[15] : f32 from vector<16xf32>
        %mul3A_626 = arith.constant 16 : i32
        %mul3A_627 = vector.broadcast %mul3A_626 : i32 to vector<16xi32>
        %mul3A_628 = arith.muli %select_n3A_621, %mul3A_627 : vector<16xi32>
        %add3A_629 = arith.addi %mul3A_628, %iota3A : vector<16xi32>
        %eq3A_630 = vector.broadcast %reduce_max3A_625 : f32 to vector<16xf32>
        %eq3A_631 = arith.cmpf oeq, %select_n3A_620, %eq3A_630 : vector<16xf32>
        %jit3A_632 = arith.constant 1073741824 : i32
        %broadcast_in_dim3A_633 = vector.broadcast %jit3A_632 : i32 to vector<16xi32>
        %select_n3A_634 = arith.select %eq3A_631, %add3A_629, %broadcast_in_dim3A_633 : vector<16xi1>, vector<16xi32>
        %reduce_min3A_635 = arith.constant true
        %reduce_min3A_636 = vector.broadcast %reduce_min3A_635 : i1 to vector<16xi1>
        %reduce_min3A_637 = arith.constant -2147483648 : i32
        %reduce_min3A_638 = vector.broadcast %reduce_min3A_637 : i32 to vector<16xi32>
        %reduce_min3A_639 = arith.xori %select_n3A_634, %reduce_min3A_638 : vector<16xi32>
        %reduce_min3A_640 = tpu.scan <min>, %reduce_min3A_639 masked %reduce_min3A_636 : vector<16xi32>, vector<16xi1> -> vector<16xi32>
        %reduce_min3A_641 = arith.xori %reduce_min3A_640, %reduce_min3A_638 : vector<16xi32>
        %reduce_min3A_642 = vector.extract %reduce_min3A_641[15] : i32 from vector<16xi32>
        %add3A_643 = arith.constant 6 : i32
        %add3A_644 = arith.addi %select_n3A_322, %add3A_643 : i32
        %eq3A_645 = vector.broadcast %add3A_644 : i32 to vector<16xi32>
        %eq3A_646 = arith.cmpi eq, %iota3A, %eq3A_645 : vector<16xi32>
        %broadcast_in_dim3A_647 = vector.broadcast %reduce_min3A_642 : i32 to vector<16xi32>
        %select_n3A_648 = arith.select %eq3A_646, %broadcast_in_dim3A_647, %select_n3A_601 : vector<16xi1>, vector<16xi32>
        %get3A_649 = arith.constant 7 : i32
        %get3A_650 = arith.index_cast %scan3A_176 : i32 to index
        %get3A_651 = arith.index_cast %get3A_649 : i32 to index
        %get3A_652 = arith.constant 0 : index
        %get3A_653 = tpu.vector_load %arg5[%get3A_650, %get3A_651, %get3A_652] {strides = array<i32>} : memref<4x8x32xf32, #tpu.memory_space<vmem>>, vector<16xf32>,
        %broadcast_in_dim3A_654 = arith.constant 6248 : i32
        %broadcast_in_dim3A_655 = vector.broadcast %broadcast_in_dim3A_654 : i32 to vector<16xi32>
        %gt3A_656 = arith.cmpf ogt, %get3A_653, %scan3A_215#7 : vector<16xf32>
        %select_n3A_657 = arith.select %gt3A_656, %get3A_653, %scan3A_215#7 : vector<16xi1>, vector<16xf32>
        %select_n3A_658 = arith.select %gt3A_656, %broadcast_in_dim3A_655, %scan3A_215#15 : vector<16xi1>, vector<16xi32>
        %get3A_659 = arith.constant 7 : i32
        %get3A_660 = arith.index_cast %scan3A_176 : i32 to index
        %get3A_661 = arith.index_cast %get3A_659 : i32 to index
        %get3A_662 = arith.constant 16 : index
        %get3A_663 = tpu.vector_load %arg5[%get3A_660, %get3A_661, %get3A_662] {strides = array<i32>} : memref<4x8x32xf32, #tpu.memory_space<vmem>>, vector<16xf32>,
        %broadcast_in_dim3A_664 = arith.constant 6249 : i32
        %broadcast_in_dim3A_665 = vector.broadcast %broadcast_in_dim3A_664 : i32 to vector<16xi32>
        %gt3A_666 = arith.cmpf ogt, %get3A_663, %select_n3A_657 : vector<16xf32>
        %select_n3A_667 = arith.select %gt3A_666, %get3A_663, %select_n3A_657 : vector<16xi1>, vector<16xf32>
        %select_n3A_668 = arith.select %gt3A_666, %broadcast_in_dim3A_665, %select_n3A_658 : vector<16xi1>, vector<16xi32>
        %reduce_max3A_669 = arith.constant true
        %reduce_max3A_670 = vector.broadcast %reduce_max3A_669 : i1 to vector<16xi1>
        %reduce_max3A_671 = tpu.scan <max>, %select_n3A_667 masked %reduce_max3A_670 : vector<16xf32>, vector<16xi1> -> vector<16xf32>
        %reduce_max3A_672 = vector.extract %reduce_max3A_671[15] : f32 from vector<16xf32>
        %mul3A_673 = arith.constant 16 : i32
        %mul3A_674 = vector.broadcast %mul3A_673 : i32 to vector<16xi32>
        %mul3A_675 = arith.muli %select_n3A_668, %mul3A_674 : vector<16xi32>
        %add3A_676 = arith.addi %mul3A_675, %iota3A : vector<16xi32>
        %eq3A_677 = vector.broadcast %reduce_max3A_672 : f32 to vector<16xf32>
        %eq3A_678 = arith.cmpf oeq, %select_n3A_667, %eq3A_677 : vector<16xf32>
        %jit3A_679 = arith.constant 1073741824 : i32
        %broadcast_in_dim3A_680 = vector.broadcast %jit3A_679 : i32 to vector<16xi32>
        %select_n3A_681 = arith.select %eq3A_678, %add3A_676, %broadcast_in_dim3A_680 : vector<16xi1>, vector<16xi32>
        %reduce_min3A_682 = arith.constant true
        %reduce_min3A_683 = vector.broadcast %reduce_min3A_682 : i1 to vector<16xi1>
        %reduce_min3A_684 = arith.constant -2147483648 : i32
        %reduce_min3A_685 = vector.broadcast %reduce_min3A_684 : i32 to vector<16xi32>
        %reduce_min3A_686 = arith.xori %select_n3A_681, %reduce_min3A_685 : vector<16xi32>
        %reduce_min3A_687 = tpu.scan <min>, %reduce_min3A_686 masked %reduce_min3A_683 : vector<16xi32>, vector<16xi1> -> vector<16xi32>
        %reduce_min3A_688 = arith.xori %reduce_min3A_687, %reduce_min3A_685 : vector<16xi32>
        %reduce_min3A_689 = vector.extract %reduce_min3A_688[15] : i32 from vector<16xi32>
        %add3A_690 = arith.constant 7 : i32
        %add3A_691 = arith.addi %select_n3A_322, %add3A_690 : i32
        %eq3A_692 = vector.broadcast %add3A_691 : i32 to vector<16xi32>
        %eq3A_693 = arith.cmpi eq, %iota3A, %eq3A_692 : vector<16xi32>
        %broadcast_in_dim3A_694 = vector.broadcast %reduce_min3A_689 : i32 to vector<16xi32>
        %select_n3A_695 = arith.select %eq3A_693, %broadcast_in_dim3A_694, %select_n3A_648 : vector<16xi1>, vector<16xi32>
        %swap3A = arith.index_cast %select_n3A_315 : i32 to index
        %swap3A_696 = tpu.vector_load %arg6[%swap3A] {strides = array<i32>} : memref<32xi32, #tpu.memory_space<vmem>>, vector<16xi32>,
        tpu.vector_store %arg6[%swap3A], %select_n3A_695 {strides = array<i32>} : memref<32xi32, #tpu.memory_space<vmem>>, vector<16xi32>,
      } else {
      }
      %add3A_224 = arith.constant 1 : i32
      %add3A_225 = arith.addi %scan3A_177, %add3A_224 : i32
      %eq3A_226 = arith.constant 71 : i32
      %eq3A_227 = arith.cmpi eq, %add3A_225, %eq3A_226 : i32
      %jit3A = arith.constant 0 : i32
      %select_n3A_228 = arith.select %eq3A_227, %jit3A, %add3A_225 : i32
      %jit3A_229 = arith.constant 1 : i32
      %jit3A_230 = arith.constant 0 : i32
      %select_n3A_231 = arith.select %eq3A_227, %jit3A_229, %jit3A_230 : i32
      %add3A_232 = arith.addi %scan3A_176, %select_n3A_231 : i32
      %add3A_233 = arith.constant 1 : i32
      %add3A_234 = arith.addi %scan3A_179, %add3A_233 : i32
      %eq3A_235 = arith.constant 71 : i32
      %eq3A_236 = arith.cmpi eq, %add3A_234, %eq3A_235 : i32
      %jit3A_237 = arith.constant 0 : i32
      %select_n3A_238 = arith.select %eq3A_236, %jit3A_237, %add3A_234 : i32
      %jit3A_239 = arith.constant 1 : i32
      %jit3A_240 = arith.constant 0 : i32
      %select_n3A_241 = arith.select %eq3A_236, %jit3A_239, %jit3A_240 : i32
      %add3A_242 = arith.addi %scan3A_178, %select_n3A_241 : i32
      %eq3A_243 = arith.constant 0 : i32
      %eq3A_244 = arith.cmpi eq, %select_n3A_228, %eq3A_243 : i32
      %select_n3A_245 = arith.select %eq3A_244, %broadcast_in_dim3A_3, %scan3A_215#0 : vector<16xf32>
      %select_n3A_246 = arith.select %eq3A_244, %broadcast_in_dim3A_3, %scan3A_215#1 : vector<16xf32>
      %select_n3A_247 = arith.select %eq3A_244, %broadcast_in_dim3A_3, %scan3A_215#2 : vector<16xf32>
      %select_n3A_248 = arith.select %eq3A_244, %broadcast_in_dim3A_3, %scan3A_215#3 : vector<16xf32>
      %select_n3A_249 = arith.select %eq3A_244, %broadcast_in_dim3A_3, %scan3A_215#4 : vector<16xf32>
      %select_n3A_250 = arith.select %eq3A_244, %broadcast_in_dim3A_3, %scan3A_215#5 : vector<16xf32>
      %select_n3A_251 = arith.select %eq3A_244, %broadcast_in_dim3A_3, %scan3A_215#6 : vector<16xf32>
      %select_n3A_252 = arith.select %eq3A_244, %broadcast_in_dim3A_3, %scan3A_215#7 : vector<16xf32>
      %select_n3A_253 = arith.select %eq3A_244, %broadcast_in_dim3A_5, %scan3A_215#8 : vector<16xi32>
      %select_n3A_254 = arith.select %eq3A_244, %broadcast_in_dim3A_5, %scan3A_215#9 : vector<16xi32>
      %select_n3A_255 = arith.select %eq3A_244, %broadcast_in_dim3A_5, %scan3A_215#10 : vector<16xi32>
      %select_n3A_256 = arith.select %eq3A_244, %broadcast_in_dim3A_5, %scan3A_215#11 : vector<16xi32>
      %select_n3A_257 = arith.select %eq3A_244, %broadcast_in_dim3A_5, %scan3A_215#12 : vector<16xi32>
      %select_n3A_258 = arith.select %eq3A_244, %broadcast_in_dim3A_5, %scan3A_215#13 : vector<16xi32>
      %select_n3A_259 = arith.select %eq3A_244, %broadcast_in_dim3A_5, %scan3A_215#14 : vector<16xi32>
      %select_n3A_260 = arith.select %eq3A_244, %broadcast_in_dim3A_5, %scan3A_215#15 : vector<16xi32>
      %dma_wait3A_261 = arith.constant 1 : i32
      %dma_wait3A_262 = arith.constant 0 : i32
      %dma_wait3A_263 = arith.constant 0 : i32
      %dma_wait3A_264 = tpu.memref_slice %arg4[%dma_wait3A_261, %dma_wait3A_262, %dma_wait3A_263] : memref<2x8x1408xf32, #tpu.memory_space<vmem>> -> memref<1x8x1408xf32, #tpu.memory_space<vmem>>
      %dma_wait3A_265 = tpu.memref_squeeze %dma_wait3A_264 : memref<1x8x1408xf32, #tpu.memory_space<vmem>> -> memref<8x1408xf32, #tpu.memory_space<vmem>>
      %dma_wait3A_266 = arith.constant 0 : i32
      %dma_wait3A_267 = tpu.memref_slice %arg2[%mul3A_2, %dma_wait3A_266] : memref<1024x100000xf32, #tpu.memory_space<hbm>> -> memref<8x1408xf32, #tpu.memory_space<hbm>>
      %dma_wait3A_268 = arith.constant 0 : i32
      %dma_wait3A_269 = arith.constant 0 : i32
      %dma_wait3A_270 = tpu.memref_slice %arg4[%dma_wait3A_261, %dma_wait3A_268, %dma_wait3A_269] : memref<2x8x1408xf32, #tpu.memory_space<vmem>> -> memref<1x8x1408xf32, #tpu.memory_space<vmem>>
      %dma_wait3A_271 = tpu.memref_squeeze %dma_wait3A_270 : memref<1x8x1408xf32, #tpu.memory_space<vmem>> -> memref<8x1408xf32, #tpu.memory_space<vmem>>
      %dma_wait3A_272 = arith.constant 0 : i32
      %dma_wait3A_273 = tpu.memref_slice %arg2[%mul3A_2, %dma_wait3A_272] : memref<1024x100000xf32, #tpu.memory_space<hbm>> -> memref<8x1408xf32, #tpu.memory_space<hbm>>
      tpu.wait_dma2 semaphore(%arg8 : memref<!tpu.dma_semaphore, #tpu.memory_space<semaphore_mem>>) src(%dma_wait3A_273 : memref<8x1408xf32, #tpu.memory_space<hbm>>) dst(%dma_wait3A_271 : memref<8x1408xf32, #tpu.memory_space<vmem>>)
      %mul3A_274 = arith.constant 88 : i32
      %mul3A_275 = arith.muli %select_n3A_228, %mul3A_274 : i32
      %scan3A_276 = arith.constant 0 : i32
      %scan3A_277 = arith.constant 44 : i32
      %scan3A_278 = arith.addi %scan3A_276, %scan3A_277 : i32
      %scan3A_279 = arith.constant 1 : i32
      %scan3A_280:16 = scf.for %scan3A_312 = %scan3A_276 to %scan3A_278 step %scan3A_279 iter_args(%scan3A_313 = %select_n3A_245, %scan3A_314 = %select_n3A_246, %scan3A_315 = %select_n3A_247, %scan3A_316 = %select_n3A_248, %scan3A_317 = %select_n3A_249, %scan3A_318 = %select_n3A_250, %scan3A_319 = %select_n3A_251, %scan3A_320 = %select_n3A_252, %scan3A_321 = %select_n3A_253, %scan3A_322 = %select_n3A_254, %scan3A_323 = %select_n3A_255, %scan3A_324 = %select_n3A_256, %scan3A_325 = %select_n3A_257, %scan3A_326 = %select_n3A_258, %scan3A_327 = %select_n3A_259, %scan3A_328 = %select_n3A_260) -> (vector<16xf32>, vector<16xf32>, vector<16xf32>, vector<16xf32>, vector<16xf32>, vector<16xf32>, vector<16xf32>, vector<16xf32>, vector<16xi32>, vector<16xi32>, vector<16xi32>, vector<16xi32>, vector<16xi32>, vector<16xi32>, vector<16xi32>, vector<16xi32>)  : i32 {
        %mul3A_329 = arith.constant 2 : i32
        %mul3A_330 = arith.muli %scan3A_312, %mul3A_329 : i32
        %add3A_331 = arith.constant 0 : i32
        %add3A_332 = arith.addi %mul3A_330, %add3A_331 : i32
        %add3A_333 = arith.addi %mul3A_275, %add3A_332 : i32
        %mul3A_334 = arith.constant 16 : i32
        %mul3A_335 = arith.muli %add3A_332, %mul3A_334 : i32
        %get3A = arith.constant 1 : i32
        %get3A_336 = arith.constant 0 : i32
        %get3A_337 = arith.index_cast %get3A : i32 to index
        %get3A_338 = arith.index_cast %get3A_336 : i32 to index
        %get3A_339 = arith.index_cast %mul3A_335 : i32 to index
        %get3A_340 = tpu.vector_load %arg4[%get3A_337, %get3A_338, %get3A_339] {strides = array<i32>} : memref<2x8x1408xf32, #tpu.memory_space<vmem>>, vector<16xf32>,
        %gt3A = arith.cmpf ogt, %get3A_340, %scan3A_313 : vector<16xf32>
        %select_n3A_341 = arith.select %gt3A, %get3A_340, %scan3A_313 : vector<16xi1>, vector<16xf32>
        %broadcast_in_dim3A_342 = vector.broadcast %add3A_333 : i32 to vector<16xi32>
        %select_n3A_343 = arith.select %gt3A, %broadcast_in_dim3A_342, %scan3A_321 : vector<16xi1>, vector<16xi32>
        %mul3A_344 = arith.constant 16 : i32
        %mul3A_345 = arith.muli %add3A_332, %mul3A_344 : i32
        %get3A_346 = arith.constant 1 : i32
        %get3A_347 = arith.constant 1 : i32
        %get3A_348 = arith.index_cast %get3A_346 : i32 to index
        %get3A_349 = arith.index_cast %get3A_347 : i32 to index
        %get3A_350 = arith.index_cast %mul3A_345 : i32 to index
        %get3A_351 = tpu.vector_load %arg4[%get3A_348, %get3A_349, %get3A_350] {strides = array<i32>} : memref<2x8x1408xf32, #tpu.memory_space<vmem>>, vector<16xf32>,
        %gt3A_352 = arith.cmpf ogt, %get3A_351, %scan3A_314 : vector<16xf32>
        %select_n3A_353 = arith.select %gt3A_352, %get3A_351, %scan3A_314 : vector<16xi1>, vector<16xf32>
        %broadcast_in_dim3A_354 = vector.broadcast %add3A_333 : i32 to vector<16xi32>
        %select_n3A_355 = arith.select %gt3A_352, %broadcast_in_dim3A_354, %scan3A_322 : vector<16xi1>, vector<16xi32>
        %mul3A_356 = arith.constant 16 : i32
        %mul3A_357 = arith.muli %add3A_332, %mul3A_356 : i32
        %get3A_358 = arith.constant 1 : i32
        %get3A_359 = arith.constant 2 : i32
        %get3A_360 = arith.index_cast %get3A_358 : i32 to index
        %get3A_361 = arith.index_cast %get3A_359 : i32 to index
        %get3A_362 = arith.index_cast %mul3A_357 : i32 to index
        %get3A_363 = tpu.vector_load %arg4[%get3A_360, %get3A_361, %get3A_362] {strides = array<i32>} : memref<2x8x1408xf32, #tpu.memory_space<vmem>>, vector<16xf32>,
        %gt3A_364 = arith.cmpf ogt, %get3A_363, %scan3A_315 : vector<16xf32>
        %select_n3A_365 = arith.select %gt3A_364, %get3A_363, %scan3A_315 : vector<16xi1>, vector<16xf32>
        %broadcast_in_dim3A_366 = vector.broadcast %add3A_333 : i32 to vector<16xi32>
        %select_n3A_367 = arith.select %gt3A_364, %broadcast_in_dim3A_366, %scan3A_323 : vector<16xi1>, vector<16xi32>
        %mul3A_368 = arith.constant 16 : i32
        %mul3A_369 = arith.muli %add3A_332, %mul3A_368 : i32
        %get3A_370 = arith.constant 1 : i32
        %get3A_371 = arith.constant 3 : i32
        %get3A_372 = arith.index_cast %get3A_370 : i32 to index
        %get3A_373 = arith.index_cast %get3A_371 : i32 to index
        %get3A_374 = arith.index_cast %mul3A_369 : i32 to index
        %get3A_375 = tpu.vector_load %arg4[%get3A_372, %get3A_373, %get3A_374] {strides = array<i32>} : memref<2x8x1408xf32, #tpu.memory_space<vmem>>, vector<16xf32>,
        %gt3A_376 = arith.cmpf ogt, %get3A_375, %scan3A_316 : vector<16xf32>
        %select_n3A_377 = arith.select %gt3A_376, %get3A_375, %scan3A_316 : vector<16xi1>, vector<16xf32>
        %broadcast_in_dim3A_378 = vector.broadcast %add3A_333 : i32 to vector<16xi32>
        %select_n3A_379 = arith.select %gt3A_376, %broadcast_in_dim3A_378, %scan3A_324 : vector<16xi1>, vector<16xi32>
        %mul3A_380 = arith.constant 16 : i32
        %mul3A_381 = arith.muli %add3A_332, %mul3A_380 : i32
        %get3A_382 = arith.constant 1 : i32
        %get3A_383 = arith.constant 4 : i32
        %get3A_384 = arith.index_cast %get3A_382 : i32 to index
        %get3A_385 = arith.index_cast %get3A_383 : i32 to index
        %get3A_386 = arith.index_cast %mul3A_381 : i32 to index
        %get3A_387 = tpu.vector_load %arg4[%get3A_384, %get3A_385, %get3A_386] {strides = array<i32>} : memref<2x8x1408xf32, #tpu.memory_space<vmem>>, vector<16xf32>,
        %gt3A_388 = arith.cmpf ogt, %get3A_387, %scan3A_317 : vector<16xf32>
        %select_n3A_389 = arith.select %gt3A_388, %get3A_387, %scan3A_317 : vector<16xi1>, vector<16xf32>
        %broadcast_in_dim3A_390 = vector.broadcast %add3A_333 : i32 to vector<16xi32>
        %select_n3A_391 = arith.select %gt3A_388, %broadcast_in_dim3A_390, %scan3A_325 : vector<16xi1>, vector<16xi32>
        %mul3A_392 = arith.constant 16 : i32
        %mul3A_393 = arith.muli %add3A_332, %mul3A_392 : i32
        %get3A_394 = arith.constant 1 : i32
        %get3A_395 = arith.constant 5 : i32
        %get3A_396 = arith.index_cast %get3A_394 : i32 to index
        %get3A_397 = arith.index_cast %get3A_395 : i32 to index
        %get3A_398 = arith.index_cast %mul3A_393 : i32 to index
        %get3A_399 = tpu.vector_load %arg4[%get3A_396, %get3A_397, %get3A_398] {strides = array<i32>} : memref<2x8x1408xf32, #tpu.memory_space<vmem>>, vector<16xf32>,
        %gt3A_400 = arith.cmpf ogt, %get3A_399, %scan3A_318 : vector<16xf32>
        %select_n3A_401 = arith.select %gt3A_400, %get3A_399, %scan3A_318 : vector<16xi1>, vector<16xf32>
        %broadcast_in_dim3A_402 = vector.broadcast %add3A_333 : i32 to vector<16xi32>
        %select_n3A_403 = arith.select %gt3A_400, %broadcast_in_dim3A_402, %scan3A_326 : vector<16xi1>, vector<16xi32>
        %mul3A_404 = arith.constant 16 : i32
        %mul3A_405 = arith.muli %add3A_332, %mul3A_404 : i32
        %get3A_406 = arith.constant 1 : i32
        %get3A_407 = arith.constant 6 : i32
        %get3A_408 = arith.index_cast %get3A_406 : i32 to index
        %get3A_409 = arith.index_cast %get3A_407 : i32 to index
        %get3A_410 = arith.index_cast %mul3A_405 : i32 to index
        %get3A_411 = tpu.vector_load %arg4[%get3A_408, %get3A_409, %get3A_410] {strides = array<i32>} : memref<2x8x1408xf32, #tpu.memory_space<vmem>>, vector<16xf32>,
        %gt3A_412 = arith.cmpf ogt, %get3A_411, %scan3A_319 : vector<16xf32>
        %select_n3A_413 = arith.select %gt3A_412, %get3A_411, %scan3A_319 : vector<16xi1>, vector<16xf32>
        %broadcast_in_dim3A_414 = vector.broadcast %add3A_333 : i32 to vector<16xi32>
        %select_n3A_415 = arith.select %gt3A_412, %broadcast_in_dim3A_414, %scan3A_327 : vector<16xi1>, vector<16xi32>
        %mul3A_416 = arith.constant 16 : i32
        %mul3A_417 = arith.muli %add3A_332, %mul3A_416 : i32
        %get3A_418 = arith.constant 1 : i32
        %get3A_419 = arith.constant 7 : i32
        %get3A_420 = arith.index_cast %get3A_418 : i32 to index
        %get3A_421 = arith.index_cast %get3A_419 : i32 to index
        %get3A_422 = arith.index_cast %mul3A_417 : i32 to index
        %get3A_423 = tpu.vector_load %arg4[%get3A_420, %get3A_421, %get3A_422] {strides = array<i32>} : memref<2x8x1408xf32, #tpu.memory_space<vmem>>, vector<16xf32>,
        %gt3A_424 = arith.cmpf ogt, %get3A_423, %scan3A_320 : vector<16xf32>
        %select_n3A_425 = arith.select %gt3A_424, %get3A_423, %scan3A_320 : vector<16xi1>, vector<16xf32>
        %broadcast_in_dim3A_426 = vector.broadcast %add3A_333 : i32 to vector<16xi32>
        %select_n3A_427 = arith.select %gt3A_424, %broadcast_in_dim3A_426, %scan3A_328 : vector<16xi1>, vector<16xi32>
        %mul3A_428 = arith.constant 2 : i32
        %mul3A_429 = arith.muli %scan3A_312, %mul3A_428 : i32
        %add3A_430 = arith.constant 1 : i32
        %add3A_431 = arith.addi %mul3A_429, %add3A_430 : i32
        %add3A_432 = arith.addi %mul3A_275, %add3A_431 : i32
        %mul3A_433 = arith.constant 16 : i32
        %mul3A_434 = arith.muli %add3A_431, %mul3A_433 : i32
        %get3A_435 = arith.constant 1 : i32
        %get3A_436 = arith.constant 0 : i32
        %get3A_437 = arith.index_cast %get3A_435 : i32 to index
        %get3A_438 = arith.index_cast %get3A_436 : i32 to index
        %get3A_439 = arith.index_cast %mul3A_434 : i32 to index
        %get3A_440 = tpu.vector_load %arg4[%get3A_437, %get3A_438, %get3A_439] {strides = array<i32>} : memref<2x8x1408xf32, #tpu.memory_space<vmem>>, vector<16xf32>,
        %gt3A_441 = arith.cmpf ogt, %get3A_440, %select_n3A_341 : vector<16xf32>
        %select_n3A_442 = arith.select %gt3A_441, %get3A_440, %select_n3A_341 : vector<16xi1>, vector<16xf32>
        %broadcast_in_dim3A_443 = vector.broadcast %add3A_432 : i32 to vector<16xi32>
        %select_n3A_444 = arith.select %gt3A_441, %broadcast_in_dim3A_443, %select_n3A_343 : vector<16xi1>, vector<16xi32>
        %mul3A_445 = arith.constant 16 : i32
        %mul3A_446 = arith.muli %add3A_431, %mul3A_445 : i32
        %get3A_447 = arith.constant 1 : i32
        %get3A_448 = arith.constant 1 : i32
        %get3A_449 = arith.index_cast %get3A_447 : i32 to index
        %get3A_450 = arith.index_cast %get3A_448 : i32 to index
        %get3A_451 = arith.index_cast %mul3A_446 : i32 to index
        %get3A_452 = tpu.vector_load %arg4[%get3A_449, %get3A_450, %get3A_451] {strides = array<i32>} : memref<2x8x1408xf32, #tpu.memory_space<vmem>>, vector<16xf32>,
        %gt3A_453 = arith.cmpf ogt, %get3A_452, %select_n3A_353 : vector<16xf32>
        %select_n3A_454 = arith.select %gt3A_453, %get3A_452, %select_n3A_353 : vector<16xi1>, vector<16xf32>
        %broadcast_in_dim3A_455 = vector.broadcast %add3A_432 : i32 to vector<16xi32>
        %select_n3A_456 = arith.select %gt3A_453, %broadcast_in_dim3A_455, %select_n3A_355 : vector<16xi1>, vector<16xi32>
        %mul3A_457 = arith.constant 16 : i32
        %mul3A_458 = arith.muli %add3A_431, %mul3A_457 : i32
        %get3A_459 = arith.constant 1 : i32
        %get3A_460 = arith.constant 2 : i32
        %get3A_461 = arith.index_cast %get3A_459 : i32 to index
        %get3A_462 = arith.index_cast %get3A_460 : i32 to index
        %get3A_463 = arith.index_cast %mul3A_458 : i32 to index
        %get3A_464 = tpu.vector_load %arg4[%get3A_461, %get3A_462, %get3A_463] {strides = array<i32>} : memref<2x8x1408xf32, #tpu.memory_space<vmem>>, vector<16xf32>,
        %gt3A_465 = arith.cmpf ogt, %get3A_464, %select_n3A_365 : vector<16xf32>
        %select_n3A_466 = arith.select %gt3A_465, %get3A_464, %select_n3A_365 : vector<16xi1>, vector<16xf32>
        %broadcast_in_dim3A_467 = vector.broadcast %add3A_432 : i32 to vector<16xi32>
        %select_n3A_468 = arith.select %gt3A_465, %broadcast_in_dim3A_467, %select_n3A_367 : vector<16xi1>, vector<16xi32>
        %mul3A_469 = arith.constant 16 : i32
        %mul3A_470 = arith.muli %add3A_431, %mul3A_469 : i32
        %get3A_471 = arith.constant 1 : i32
        %get3A_472 = arith.constant 3 : i32
        %get3A_473 = arith.index_cast %get3A_471 : i32 to index
        %get3A_474 = arith.index_cast %get3A_472 : i32 to index
        %get3A_475 = arith.index_cast %mul3A_470 : i32 to index
        %get3A_476 = tpu.vector_load %arg4[%get3A_473, %get3A_474, %get3A_475] {strides = array<i32>} : memref<2x8x1408xf32, #tpu.memory_space<vmem>>, vector<16xf32>,
        %gt3A_477 = arith.cmpf ogt, %get3A_476, %select_n3A_377 : vector<16xf32>
        %select_n3A_478 = arith.select %gt3A_477, %get3A_476, %select_n3A_377 : vector<16xi1>, vector<16xf32>
        %broadcast_in_dim3A_479 = vector.broadcast %add3A_432 : i32 to vector<16xi32>
        %select_n3A_480 = arith.select %gt3A_477, %broadcast_in_dim3A_479, %select_n3A_379 : vector<16xi1>, vector<16xi32>
        %mul3A_481 = arith.constant 16 : i32
        %mul3A_482 = arith.muli %add3A_431, %mul3A_481 : i32
        %get3A_483 = arith.constant 1 : i32
        %get3A_484 = arith.constant 4 : i32
        %get3A_485 = arith.index_cast %get3A_483 : i32 to index
        %get3A_486 = arith.index_cast %get3A_484 : i32 to index
        %get3A_487 = arith.index_cast %mul3A_482 : i32 to index
        %get3A_488 = tpu.vector_load %arg4[%get3A_485, %get3A_486, %get3A_487] {strides = array<i32>} : memref<2x8x1408xf32, #tpu.memory_space<vmem>>, vector<16xf32>,
        %gt3A_489 = arith.cmpf ogt, %get3A_488, %select_n3A_389 : vector<16xf32>
        %select_n3A_490 = arith.select %gt3A_489, %get3A_488, %select_n3A_389 : vector<16xi1>, vector<16xf32>
        %broadcast_in_dim3A_491 = vector.broadcast %add3A_432 : i32 to vector<16xi32>
        %select_n3A_492 = arith.select %gt3A_489, %broadcast_in_dim3A_491, %select_n3A_391 : vector<16xi1>, vector<16xi32>
        %mul3A_493 = arith.constant 16 : i32
        %mul3A_494 = arith.muli %add3A_431, %mul3A_493 : i32
        %get3A_495 = arith.constant 1 : i32
        %get3A_496 = arith.constant 5 : i32
        %get3A_497 = arith.index_cast %get3A_495 : i32 to index
        %get3A_498 = arith.index_cast %get3A_496 : i32 to index
        %get3A_499 = arith.index_cast %mul3A_494 : i32 to index
        %get3A_500 = tpu.vector_load %arg4[%get3A_497, %get3A_498, %get3A_499] {strides = array<i32>} : memref<2x8x1408xf32, #tpu.memory_space<vmem>>, vector<16xf32>,
        %gt3A_501 = arith.cmpf ogt, %get3A_500, %select_n3A_401 : vector<16xf32>
        %select_n3A_502 = arith.select %gt3A_501, %get3A_500, %select_n3A_401 : vector<16xi1>, vector<16xf32>
        %broadcast_in_dim3A_503 = vector.broadcast %add3A_432 : i32 to vector<16xi32>
        %select_n3A_504 = arith.select %gt3A_501, %broadcast_in_dim3A_503, %select_n3A_403 : vector<16xi1>, vector<16xi32>
        %mul3A_505 = arith.constant 16 : i32
        %mul3A_506 = arith.muli %add3A_431, %mul3A_505 : i32
        %get3A_507 = arith.constant 1 : i32
        %get3A_508 = arith.constant 6 : i32
        %get3A_509 = arith.index_cast %get3A_507 : i32 to index
        %get3A_510 = arith.index_cast %get3A_508 : i32 to index
        %get3A_511 = arith.index_cast %mul3A_506 : i32 to index
        %get3A_512 = tpu.vector_load %arg4[%get3A_509, %get3A_510, %get3A_511] {strides = array<i32>} : memref<2x8x1408xf32, #tpu.memory_space<vmem>>, vector<16xf32>,
        %gt3A_513 = arith.cmpf ogt, %get3A_512, %select_n3A_413 : vector<16xf32>
        %select_n3A_514 = arith.select %gt3A_513, %get3A_512, %select_n3A_413 : vector<16xi1>, vector<16xf32>
        %broadcast_in_dim3A_515 = vector.broadcast %add3A_432 : i32 to vector<16xi32>
        %select_n3A_516 = arith.select %gt3A_513, %broadcast_in_dim3A_515, %select_n3A_415 : vector<16xi1>, vector<16xi32>
        %mul3A_517 = arith.constant 16 : i32
        %mul3A_518 = arith.muli %add3A_431, %mul3A_517 : i32
        %get3A_519 = arith.constant 1 : i32
        %get3A_520 = arith.constant 7 : i32
        %get3A_521 = arith.index_cast %get3A_519 : i32 to index
        %get3A_522 = arith.index_cast %get3A_520 : i32 to index
        %get3A_523 = arith.index_cast %mul3A_518 : i32 to index
        %get3A_524 = tpu.vector_load %arg4[%get3A_521, %get3A_522, %get3A_523] {strides = array<i32>} : memref<2x8x1408xf32, #tpu.memory_space<vmem>>, vector<16xf32>,
        %gt3A_525 = arith.cmpf ogt, %get3A_524, %select_n3A_425 : vector<16xf32>
        %select_n3A_526 = arith.select %gt3A_525, %get3A_524, %select_n3A_425 : vector<16xi1>, vector<16xf32>
        %broadcast_in_dim3A_527 = vector.broadcast %add3A_432 : i32 to vector<16xi32>
        %select_n3A_528 = arith.select %gt3A_525, %broadcast_in_dim3A_527, %select_n3A_427 : vector<16xi1>, vector<16xi32>
        scf.yield %select_n3A_442, %select_n3A_454, %select_n3A_466, %select_n3A_478, %select_n3A_490, %select_n3A_502, %select_n3A_514, %select_n3A_526, %select_n3A_444, %select_n3A_456, %select_n3A_468, %select_n3A_480, %select_n3A_492, %select_n3A_504, %select_n3A_516, %select_n3A_528 : vector<16xf32>, vector<16xf32>, vector<16xf32>, vector<16xf32>, vector<16xf32>, vector<16xf32>, vector<16xf32>, vector<16xf32>, vector<16xi32>, vector<16xi32>, vector<16xi32>, vector<16xi32>, vector<16xi32>, vector<16xi32>, vector<16xi32>, vector<16xi32>
      }
      %scan3A_281 = arith.constant 44 : i32
      %lt3A_282 = arith.constant 4 : i32
      %lt3A_283 = arith.cmpi slt, %add3A_242, %lt3A_282 : i32
      %convert_element_type3A_284 = arith.extui %lt3A_283 : i1 to i32
      %cond3A_285 = arith.constant 0 : i32
      %cond3A_286 = arith.cmpi ne, %convert_element_type3A_284, %cond3A_285 : i32
      scf.if %cond3A_286 {
        %mul3A_312 = arith.constant 8 : i32
        %mul3A_313 = arith.muli %add3A_242, %mul3A_312 : i32
        %add3A_314 = arith.addi %mul3A_2, %mul3A_313 : i32
        %mul3A_315 = arith.constant 1408 : i32
        %mul3A_316 = arith.muli %select_n3A_238, %mul3A_315 : i32
        %dma_start3A_317 = arith.constant 1 : i32
        %dma_start3A_318 = arith.constant 0 : i32
        %dma_start3A_319 = arith.constant 0 : i32
        %dma_start3A_320 = tpu.memref_slice %arg4[%dma_start3A_317, %dma_start3A_318, %dma_start3A_319] : memref<2x8x1408xf32, #tpu.memory_space<vmem>> -> memref<1x8x1408xf32, #tpu.memory_space<vmem>>
        %dma_start3A_321 = tpu.memref_squeeze %dma_start3A_320 : memref<1x8x1408xf32, #tpu.memory_space<vmem>> -> memref<8x1408xf32, #tpu.memory_space<vmem>>
        %dma_start3A_322 = tpu.memref_slice %arg2[%add3A_314, %mul3A_316] : memref<1024x100000xf32, #tpu.memory_space<hbm>> -> memref<8x1408xf32, #tpu.memory_space<hbm>>
        %dma_start3A_323 = arith.constant 0 : i32
        %dma_start3A_324 = arith.constant 0 : i32
        %dma_start3A_325 = tpu.memref_slice %arg4[%dma_start3A_317, %dma_start3A_323, %dma_start3A_324] : memref<2x8x1408xf32, #tpu.memory_space<vmem>> -> memref<1x8x1408xf32, #tpu.memory_space<vmem>>
        %dma_start3A_326 = tpu.memref_squeeze %dma_start3A_325 : memref<1x8x1408xf32, #tpu.memory_space<vmem>> -> memref<8x1408xf32, #tpu.memory_space<vmem>>
        %dma_start3A_327 = tpu.memref_slice %arg2[%add3A_314, %mul3A_316] : memref<1024x100000xf32, #tpu.memory_space<hbm>> -> memref<8x1408xf32, #tpu.memory_space<hbm>>
        tpu.enqueue_dma source(%dma_start3A_327 : memref<8x1408xf32, #tpu.memory_space<hbm>>) target(%dma_start3A_326 : memref<8x1408xf32, #tpu.memory_space<vmem>>) target_semaphore(%arg8 : memref<!tpu.dma_semaphore, #tpu.memory_space<semaphore_mem>>)
      } else {
      }
      %eq3A_287 = arith.constant 70 : i32
      %eq3A_288 = arith.cmpi eq, %select_n3A_228, %eq3A_287 : i32
      %convert_element_type3A_289 = arith.extui %eq3A_288 : i1 to i32
      %cond3A_290 = arith.constant 0 : i32
      %cond3A_291 = arith.cmpi ne, %convert_element_type3A_289, %cond3A_290 : i32
      scf.if %cond3A_291 {
        %ge3A = arith.constant 2 : i32
        %ge3A_312 = arith.cmpi sge, %add3A_232, %ge3A : i32
        %jit3A_313 = arith.constant 16 : i32
        %jit3A_314 = arith.constant 0 : i32
        %select_n3A_315 = arith.select %ge3A_312, %jit3A_313, %jit3A_314 : i32
        %get3A = arith.index_cast %select_n3A_315 : i32 to index
        %get3A_316 = tpu.vector_load %arg6[%get3A] {strides = array<i32>} : memref<32xi32, #tpu.memory_space<vmem>>, vector<16xi32>,
        %and3A = arith.constant 1 : i32
        %and3A_317 = arith.andi %add3A_232, %and3A : i32
        %eq3A_318 = arith.constant 1 : i32
        %eq3A_319 = arith.cmpi eq, %and3A_317, %eq3A_318 : i32
        %jit3A_320 = arith.constant 8 : i32
        %jit3A_321 = arith.constant 0 : i32
        %select_n3A_322 = arith.select %eq3A_319, %jit3A_320, %jit3A_321 : i32
        %get3A_323 = arith.constant 0 : i32
        %get3A_324 = arith.index_cast %add3A_232 : i32 to index
        %get3A_325 = arith.index_cast %get3A_323 : i32 to index
        %get3A_326 = arith.constant 0 : index
        %get3A_327 = tpu.vector_load %arg5[%get3A_324, %get3A_325, %get3A_326] {strides = array<i32>} : memref<4x8x32xf32, #tpu.memory_space<vmem>>, vector<16xf32>,
        %broadcast_in_dim3A_328 = arith.constant 6248 : i32
        %broadcast_in_dim3A_329 = vector.broadcast %broadcast_in_dim3A_328 : i32 to vector<16xi32>
        %gt3A = arith.cmpf ogt, %get3A_327, %scan3A_280#0 : vector<16xf32>
        %select_n3A_330 = arith.select %gt3A, %get3A_327, %scan3A_280#0 : vector<16xi1>, vector<16xf32>
        %select_n3A_331 = arith.select %gt3A, %broadcast_in_dim3A_329, %scan3A_280#8 : vector<16xi1>, vector<16xi32>
        %get3A_332 = arith.constant 0 : i32
        %get3A_333 = arith.index_cast %add3A_232 : i32 to index
        %get3A_334 = arith.index_cast %get3A_332 : i32 to index
        %get3A_335 = arith.constant 16 : index
        %get3A_336 = tpu.vector_load %arg5[%get3A_333, %get3A_334, %get3A_335] {strides = array<i32>} : memref<4x8x32xf32, #tpu.memory_space<vmem>>, vector<16xf32>,
        %broadcast_in_dim3A_337 = arith.constant 6249 : i32
        %broadcast_in_dim3A_338 = vector.broadcast %broadcast_in_dim3A_337 : i32 to vector<16xi32>
        %gt3A_339 = arith.cmpf ogt, %get3A_336, %select_n3A_330 : vector<16xf32>
        %select_n3A_340 = arith.select %gt3A_339, %get3A_336, %select_n3A_330 : vector<16xi1>, vector<16xf32>
        %select_n3A_341 = arith.select %gt3A_339, %broadcast_in_dim3A_338, %select_n3A_331 : vector<16xi1>, vector<16xi32>
        %reduce_max3A = arith.constant true
        %reduce_max3A_342 = vector.broadcast %reduce_max3A : i1 to vector<16xi1>
        %reduce_max3A_343 = tpu.scan <max>, %select_n3A_340 masked %reduce_max3A_342 : vector<16xf32>, vector<16xi1> -> vector<16xf32>
        %reduce_max3A_344 = vector.extract %reduce_max3A_343[15] : f32 from vector<16xf32>
        %mul3A_345 = arith.constant 16 : i32
        %mul3A_346 = vector.broadcast %mul3A_345 : i32 to vector<16xi32>
        %mul3A_347 = arith.muli %select_n3A_341, %mul3A_346 : vector<16xi32>
        %add3A_348 = arith.addi %mul3A_347, %iota3A : vector<16xi32>
        %eq3A_349 = vector.broadcast %reduce_max3A_344 : f32 to vector<16xf32>
        %eq3A_350 = arith.cmpf oeq, %select_n3A_340, %eq3A_349 : vector<16xf32>
        %jit3A_351 = arith.constant 1073741824 : i32
        %broadcast_in_dim3A_352 = vector.broadcast %jit3A_351 : i32 to vector<16xi32>
        %select_n3A_353 = arith.select %eq3A_350, %add3A_348, %broadcast_in_dim3A_352 : vector<16xi1>, vector<16xi32>
        %reduce_min3A = arith.constant true
        %reduce_min3A_354 = vector.broadcast %reduce_min3A : i1 to vector<16xi1>
        %reduce_min3A_355 = arith.constant -2147483648 : i32
        %reduce_min3A_356 = vector.broadcast %reduce_min3A_355 : i32 to vector<16xi32>
        %reduce_min3A_357 = arith.xori %select_n3A_353, %reduce_min3A_356 : vector<16xi32>
        %reduce_min3A_358 = tpu.scan <min>, %reduce_min3A_357 masked %reduce_min3A_354 : vector<16xi32>, vector<16xi1> -> vector<16xi32>
        %reduce_min3A_359 = arith.xori %reduce_min3A_358, %reduce_min3A_356 : vector<16xi32>
        %reduce_min3A_360 = vector.extract %reduce_min3A_359[15] : i32 from vector<16xi32>
        %add3A_361 = arith.constant 0 : i32
        %add3A_362 = arith.addi %select_n3A_322, %add3A_361 : i32
        %eq3A_363 = vector.broadcast %add3A_362 : i32 to vector<16xi32>
        %eq3A_364 = arith.cmpi eq, %iota3A, %eq3A_363 : vector<16xi32>
        %broadcast_in_dim3A_365 = vector.broadcast %reduce_min3A_360 : i32 to vector<16xi32>
        %select_n3A_366 = arith.select %eq3A_364, %broadcast_in_dim3A_365, %get3A_316 : vector<16xi1>, vector<16xi32>
        %get3A_367 = arith.constant 1 : i32
        %get3A_368 = arith.index_cast %add3A_232 : i32 to index
        %get3A_369 = arith.index_cast %get3A_367 : i32 to index
        %get3A_370 = arith.constant 0 : index
        %get3A_371 = tpu.vector_load %arg5[%get3A_368, %get3A_369, %get3A_370] {strides = array<i32>} : memref<4x8x32xf32, #tpu.memory_space<vmem>>, vector<16xf32>,
        %broadcast_in_dim3A_372 = arith.constant 6248 : i32
        %broadcast_in_dim3A_373 = vector.broadcast %broadcast_in_dim3A_372 : i32 to vector<16xi32>
        %gt3A_374 = arith.cmpf ogt, %get3A_371, %scan3A_280#1 : vector<16xf32>
        %select_n3A_375 = arith.select %gt3A_374, %get3A_371, %scan3A_280#1 : vector<16xi1>, vector<16xf32>
        %select_n3A_376 = arith.select %gt3A_374, %broadcast_in_dim3A_373, %scan3A_280#9 : vector<16xi1>, vector<16xi32>
        %get3A_377 = arith.constant 1 : i32
        %get3A_378 = arith.index_cast %add3A_232 : i32 to index
        %get3A_379 = arith.index_cast %get3A_377 : i32 to index
        %get3A_380 = arith.constant 16 : index
        %get3A_381 = tpu.vector_load %arg5[%get3A_378, %get3A_379, %get3A_380] {strides = array<i32>} : memref<4x8x32xf32, #tpu.memory_space<vmem>>, vector<16xf32>,
        %broadcast_in_dim3A_382 = arith.constant 6249 : i32
        %broadcast_in_dim3A_383 = vector.broadcast %broadcast_in_dim3A_382 : i32 to vector<16xi32>
        %gt3A_384 = arith.cmpf ogt, %get3A_381, %select_n3A_375 : vector<16xf32>
        %select_n3A_385 = arith.select %gt3A_384, %get3A_381, %select_n3A_375 : vector<16xi1>, vector<16xf32>
        %select_n3A_386 = arith.select %gt3A_384, %broadcast_in_dim3A_383, %select_n3A_376 : vector<16xi1>, vector<16xi32>
        %reduce_max3A_387 = arith.constant true
        %reduce_max3A_388 = vector.broadcast %reduce_max3A_387 : i1 to vector<16xi1>
        %reduce_max3A_389 = tpu.scan <max>, %select_n3A_385 masked %reduce_max3A_388 : vector<16xf32>, vector<16xi1> -> vector<16xf32>
        %reduce_max3A_390 = vector.extract %reduce_max3A_389[15] : f32 from vector<16xf32>
        %mul3A_391 = arith.constant 16 : i32
        %mul3A_392 = vector.broadcast %mul3A_391 : i32 to vector<16xi32>
        %mul3A_393 = arith.muli %select_n3A_386, %mul3A_392 : vector<16xi32>
        %add3A_394 = arith.addi %mul3A_393, %iota3A : vector<16xi32>
        %eq3A_395 = vector.broadcast %reduce_max3A_390 : f32 to vector<16xf32>
        %eq3A_396 = arith.cmpf oeq, %select_n3A_385, %eq3A_395 : vector<16xf32>
        %jit3A_397 = arith.constant 1073741824 : i32
        %broadcast_in_dim3A_398 = vector.broadcast %jit3A_397 : i32 to vector<16xi32>
        %select_n3A_399 = arith.select %eq3A_396, %add3A_394, %broadcast_in_dim3A_398 : vector<16xi1>, vector<16xi32>
        %reduce_min3A_400 = arith.constant true
        %reduce_min3A_401 = vector.broadcast %reduce_min3A_400 : i1 to vector<16xi1>
        %reduce_min3A_402 = arith.constant -2147483648 : i32
        %reduce_min3A_403 = vector.broadcast %reduce_min3A_402 : i32 to vector<16xi32>
        %reduce_min3A_404 = arith.xori %select_n3A_399, %reduce_min3A_403 : vector<16xi32>
        %reduce_min3A_405 = tpu.scan <min>, %reduce_min3A_404 masked %reduce_min3A_401 : vector<16xi32>, vector<16xi1> -> vector<16xi32>
        %reduce_min3A_406 = arith.xori %reduce_min3A_405, %reduce_min3A_403 : vector<16xi32>
        %reduce_min3A_407 = vector.extract %reduce_min3A_406[15] : i32 from vector<16xi32>
        %add3A_408 = arith.constant 1 : i32
        %add3A_409 = arith.addi %select_n3A_322, %add3A_408 : i32
        %eq3A_410 = vector.broadcast %add3A_409 : i32 to vector<16xi32>
        %eq3A_411 = arith.cmpi eq, %iota3A, %eq3A_410 : vector<16xi32>
        %broadcast_in_dim3A_412 = vector.broadcast %reduce_min3A_407 : i32 to vector<16xi32>
        %select_n3A_413 = arith.select %eq3A_411, %broadcast_in_dim3A_412, %select_n3A_366 : vector<16xi1>, vector<16xi32>
        %get3A_414 = arith.constant 2 : i32
        %get3A_415 = arith.index_cast %add3A_232 : i32 to index
        %get3A_416 = arith.index_cast %get3A_414 : i32 to index
        %get3A_417 = arith.constant 0 : index
        %get3A_418 = tpu.vector_load %arg5[%get3A_415, %get3A_416, %get3A_417] {strides = array<i32>} : memref<4x8x32xf32, #tpu.memory_space<vmem>>, vector<16xf32>,
        %broadcast_in_dim3A_419 = arith.constant 6248 : i32
        %broadcast_in_dim3A_420 = vector.broadcast %broadcast_in_dim3A_419 : i32 to vector<16xi32>
        %gt3A_421 = arith.cmpf ogt, %get3A_418, %scan3A_280#2 : vector<16xf32>
        %select_n3A_422 = arith.select %gt3A_421, %get3A_418, %scan3A_280#2 : vector<16xi1>, vector<16xf32>
        %select_n3A_423 = arith.select %gt3A_421, %broadcast_in_dim3A_420, %scan3A_280#10 : vector<16xi1>, vector<16xi32>
        %get3A_424 = arith.constant 2 : i32
        %get3A_425 = arith.index_cast %add3A_232 : i32 to index
        %get3A_426 = arith.index_cast %get3A_424 : i32 to index
        %get3A_427 = arith.constant 16 : index
        %get3A_428 = tpu.vector_load %arg5[%get3A_425, %get3A_426, %get3A_427] {strides = array<i32>} : memref<4x8x32xf32, #tpu.memory_space<vmem>>, vector<16xf32>,
        %broadcast_in_dim3A_429 = arith.constant 6249 : i32
        %broadcast_in_dim3A_430 = vector.broadcast %broadcast_in_dim3A_429 : i32 to vector<16xi32>
        %gt3A_431 = arith.cmpf ogt, %get3A_428, %select_n3A_422 : vector<16xf32>
        %select_n3A_432 = arith.select %gt3A_431, %get3A_428, %select_n3A_422 : vector<16xi1>, vector<16xf32>
        %select_n3A_433 = arith.select %gt3A_431, %broadcast_in_dim3A_430, %select_n3A_423 : vector<16xi1>, vector<16xi32>
        %reduce_max3A_434 = arith.constant true
        %reduce_max3A_435 = vector.broadcast %reduce_max3A_434 : i1 to vector<16xi1>
        %reduce_max3A_436 = tpu.scan <max>, %select_n3A_432 masked %reduce_max3A_435 : vector<16xf32>, vector<16xi1> -> vector<16xf32>
        %reduce_max3A_437 = vector.extract %reduce_max3A_436[15] : f32 from vector<16xf32>
        %mul3A_438 = arith.constant 16 : i32
        %mul3A_439 = vector.broadcast %mul3A_438 : i32 to vector<16xi32>
        %mul3A_440 = arith.muli %select_n3A_433, %mul3A_439 : vector<16xi32>
        %add3A_441 = arith.addi %mul3A_440, %iota3A : vector<16xi32>
        %eq3A_442 = vector.broadcast %reduce_max3A_437 : f32 to vector<16xf32>
        %eq3A_443 = arith.cmpf oeq, %select_n3A_432, %eq3A_442 : vector<16xf32>
        %jit3A_444 = arith.constant 1073741824 : i32
        %broadcast_in_dim3A_445 = vector.broadcast %jit3A_444 : i32 to vector<16xi32>
        %select_n3A_446 = arith.select %eq3A_443, %add3A_441, %broadcast_in_dim3A_445 : vector<16xi1>, vector<16xi32>
        %reduce_min3A_447 = arith.constant true
        %reduce_min3A_448 = vector.broadcast %reduce_min3A_447 : i1 to vector<16xi1>
        %reduce_min3A_449 = arith.constant -2147483648 : i32
        %reduce_min3A_450 = vector.broadcast %reduce_min3A_449 : i32 to vector<16xi32>
        %reduce_min3A_451 = arith.xori %select_n3A_446, %reduce_min3A_450 : vector<16xi32>
        %reduce_min3A_452 = tpu.scan <min>, %reduce_min3A_451 masked %reduce_min3A_448 : vector<16xi32>, vector<16xi1> -> vector<16xi32>
        %reduce_min3A_453 = arith.xori %reduce_min3A_452, %reduce_min3A_450 : vector<16xi32>
        %reduce_min3A_454 = vector.extract %reduce_min3A_453[15] : i32 from vector<16xi32>
        %add3A_455 = arith.constant 2 : i32
        %add3A_456 = arith.addi %select_n3A_322, %add3A_455 : i32
        %eq3A_457 = vector.broadcast %add3A_456 : i32 to vector<16xi32>
        %eq3A_458 = arith.cmpi eq, %iota3A, %eq3A_457 : vector<16xi32>
        %broadcast_in_dim3A_459 = vector.broadcast %reduce_min3A_454 : i32 to vector<16xi32>
        %select_n3A_460 = arith.select %eq3A_458, %broadcast_in_dim3A_459, %select_n3A_413 : vector<16xi1>, vector<16xi32>
        %get3A_461 = arith.constant 3 : i32
        %get3A_462 = arith.index_cast %add3A_232 : i32 to index
        %get3A_463 = arith.index_cast %get3A_461 : i32 to index
        %get3A_464 = arith.constant 0 : index
        %get3A_465 = tpu.vector_load %arg5[%get3A_462, %get3A_463, %get3A_464] {strides = array<i32>} : memref<4x8x32xf32, #tpu.memory_space<vmem>>, vector<16xf32>,
        %broadcast_in_dim3A_466 = arith.constant 6248 : i32
        %broadcast_in_dim3A_467 = vector.broadcast %broadcast_in_dim3A_466 : i32 to vector<16xi32>
        %gt3A_468 = arith.cmpf ogt, %get3A_465, %scan3A_280#3 : vector<16xf32>
        %select_n3A_469 = arith.select %gt3A_468, %get3A_465, %scan3A_280#3 : vector<16xi1>, vector<16xf32>
        %select_n3A_470 = arith.select %gt3A_468, %broadcast_in_dim3A_467, %scan3A_280#11 : vector<16xi1>, vector<16xi32>
        %get3A_471 = arith.constant 3 : i32
        %get3A_472 = arith.index_cast %add3A_232 : i32 to index
        %get3A_473 = arith.index_cast %get3A_471 : i32 to index
        %get3A_474 = arith.constant 16 : index
        %get3A_475 = tpu.vector_load %arg5[%get3A_472, %get3A_473, %get3A_474] {strides = array<i32>} : memref<4x8x32xf32, #tpu.memory_space<vmem>>, vector<16xf32>,
        %broadcast_in_dim3A_476 = arith.constant 6249 : i32
        %broadcast_in_dim3A_477 = vector.broadcast %broadcast_in_dim3A_476 : i32 to vector<16xi32>
        %gt3A_478 = arith.cmpf ogt, %get3A_475, %select_n3A_469 : vector<16xf32>
        %select_n3A_479 = arith.select %gt3A_478, %get3A_475, %select_n3A_469 : vector<16xi1>, vector<16xf32>
        %select_n3A_480 = arith.select %gt3A_478, %broadcast_in_dim3A_477, %select_n3A_470 : vector<16xi1>, vector<16xi32>
        %reduce_max3A_481 = arith.constant true
        %reduce_max3A_482 = vector.broadcast %reduce_max3A_481 : i1 to vector<16xi1>
        %reduce_max3A_483 = tpu.scan <max>, %select_n3A_479 masked %reduce_max3A_482 : vector<16xf32>, vector<16xi1> -> vector<16xf32>
        %reduce_max3A_484 = vector.extract %reduce_max3A_483[15] : f32 from vector<16xf32>
        %mul3A_485 = arith.constant 16 : i32
        %mul3A_486 = vector.broadcast %mul3A_485 : i32 to vector<16xi32>
        %mul3A_487 = arith.muli %select_n3A_480, %mul3A_486 : vector<16xi32>
        %add3A_488 = arith.addi %mul3A_487, %iota3A : vector<16xi32>
        %eq3A_489 = vector.broadcast %reduce_max3A_484 : f32 to vector<16xf32>
        %eq3A_490 = arith.cmpf oeq, %select_n3A_479, %eq3A_489 : vector<16xf32>
        %jit3A_491 = arith.constant 1073741824 : i32
        %broadcast_in_dim3A_492 = vector.broadcast %jit3A_491 : i32 to vector<16xi32>
        %select_n3A_493 = arith.select %eq3A_490, %add3A_488, %broadcast_in_dim3A_492 : vector<16xi1>, vector<16xi32>
        %reduce_min3A_494 = arith.constant true
        %reduce_min3A_495 = vector.broadcast %reduce_min3A_494 : i1 to vector<16xi1>
        %reduce_min3A_496 = arith.constant -2147483648 : i32
        %reduce_min3A_497 = vector.broadcast %reduce_min3A_496 : i32 to vector<16xi32>
        %reduce_min3A_498 = arith.xori %select_n3A_493, %reduce_min3A_497 : vector<16xi32>
        %reduce_min3A_499 = tpu.scan <min>, %reduce_min3A_498 masked %reduce_min3A_495 : vector<16xi32>, vector<16xi1> -> vector<16xi32>
        %reduce_min3A_500 = arith.xori %reduce_min3A_499, %reduce_min3A_497 : vector<16xi32>
        %reduce_min3A_501 = vector.extract %reduce_min3A_500[15] : i32 from vector<16xi32>
        %add3A_502 = arith.constant 3 : i32
        %add3A_503 = arith.addi %select_n3A_322, %add3A_502 : i32
        %eq3A_504 = vector.broadcast %add3A_503 : i32 to vector<16xi32>
        %eq3A_505 = arith.cmpi eq, %iota3A, %eq3A_504 : vector<16xi32>
        %broadcast_in_dim3A_506 = vector.broadcast %reduce_min3A_501 : i32 to vector<16xi32>
        %select_n3A_507 = arith.select %eq3A_505, %broadcast_in_dim3A_506, %select_n3A_460 : vector<16xi1>, vector<16xi32>
        %get3A_508 = arith.constant 4 : i32
        %get3A_509 = arith.index_cast %add3A_232 : i32 to index
        %get3A_510 = arith.index_cast %get3A_508 : i32 to index
        %get3A_511 = arith.constant 0 : index
        %get3A_512 = tpu.vector_load %arg5[%get3A_509, %get3A_510, %get3A_511] {strides = array<i32>} : memref<4x8x32xf32, #tpu.memory_space<vmem>>, vector<16xf32>,
        %broadcast_in_dim3A_513 = arith.constant 6248 : i32
        %broadcast_in_dim3A_514 = vector.broadcast %broadcast_in_dim3A_513 : i32 to vector<16xi32>
        %gt3A_515 = arith.cmpf ogt, %get3A_512, %scan3A_280#4 : vector<16xf32>
        %select_n3A_516 = arith.select %gt3A_515, %get3A_512, %scan3A_280#4 : vector<16xi1>, vector<16xf32>
        %select_n3A_517 = arith.select %gt3A_515, %broadcast_in_dim3A_514, %scan3A_280#12 : vector<16xi1>, vector<16xi32>
        %get3A_518 = arith.constant 4 : i32
        %get3A_519 = arith.index_cast %add3A_232 : i32 to index
        %get3A_520 = arith.index_cast %get3A_518 : i32 to index
        %get3A_521 = arith.constant 16 : index
        %get3A_522 = tpu.vector_load %arg5[%get3A_519, %get3A_520, %get3A_521] {strides = array<i32>} : memref<4x8x32xf32, #tpu.memory_space<vmem>>, vector<16xf32>,
        %broadcast_in_dim3A_523 = arith.constant 6249 : i32
        %broadcast_in_dim3A_524 = vector.broadcast %broadcast_in_dim3A_523 : i32 to vector<16xi32>
        %gt3A_525 = arith.cmpf ogt, %get3A_522, %select_n3A_516 : vector<16xf32>
        %select_n3A_526 = arith.select %gt3A_525, %get3A_522, %select_n3A_516 : vector<16xi1>, vector<16xf32>
        %select_n3A_527 = arith.select %gt3A_525, %broadcast_in_dim3A_524, %select_n3A_517 : vector<16xi1>, vector<16xi32>
        %reduce_max3A_528 = arith.constant true
        %reduce_max3A_529 = vector.broadcast %reduce_max3A_528 : i1 to vector<16xi1>
        %reduce_max3A_530 = tpu.scan <max>, %select_n3A_526 masked %reduce_max3A_529 : vector<16xf32>, vector<16xi1> -> vector<16xf32>
        %reduce_max3A_531 = vector.extract %reduce_max3A_530[15] : f32 from vector<16xf32>
        %mul3A_532 = arith.constant 16 : i32
        %mul3A_533 = vector.broadcast %mul3A_532 : i32 to vector<16xi32>
        %mul3A_534 = arith.muli %select_n3A_527, %mul3A_533 : vector<16xi32>
        %add3A_535 = arith.addi %mul3A_534, %iota3A : vector<16xi32>
        %eq3A_536 = vector.broadcast %reduce_max3A_531 : f32 to vector<16xf32>
        %eq3A_537 = arith.cmpf oeq, %select_n3A_526, %eq3A_536 : vector<16xf32>
        %jit3A_538 = arith.constant 1073741824 : i32
        %broadcast_in_dim3A_539 = vector.broadcast %jit3A_538 : i32 to vector<16xi32>
        %select_n3A_540 = arith.select %eq3A_537, %add3A_535, %broadcast_in_dim3A_539 : vector<16xi1>, vector<16xi32>
        %reduce_min3A_541 = arith.constant true
        %reduce_min3A_542 = vector.broadcast %reduce_min3A_541 : i1 to vector<16xi1>
        %reduce_min3A_543 = arith.constant -2147483648 : i32
        %reduce_min3A_544 = vector.broadcast %reduce_min3A_543 : i32 to vector<16xi32>
        %reduce_min3A_545 = arith.xori %select_n3A_540, %reduce_min3A_544 : vector<16xi32>
        %reduce_min3A_546 = tpu.scan <min>, %reduce_min3A_545 masked %reduce_min3A_542 : vector<16xi32>, vector<16xi1> -> vector<16xi32>
        %reduce_min3A_547 = arith.xori %reduce_min3A_546, %reduce_min3A_544 : vector<16xi32>
        %reduce_min3A_548 = vector.extract %reduce_min3A_547[15] : i32 from vector<16xi32>
        %add3A_549 = arith.constant 4 : i32
        %add3A_550 = arith.addi %select_n3A_322, %add3A_549 : i32
        %eq3A_551 = vector.broadcast %add3A_550 : i32 to vector<16xi32>
        %eq3A_552 = arith.cmpi eq, %iota3A, %eq3A_551 : vector<16xi32>
        %broadcast_in_dim3A_553 = vector.broadcast %reduce_min3A_548 : i32 to vector<16xi32>
        %select_n3A_554 = arith.select %eq3A_552, %broadcast_in_dim3A_553, %select_n3A_507 : vector<16xi1>, vector<16xi32>
        %get3A_555 = arith.constant 5 : i32
        %get3A_556 = arith.index_cast %add3A_232 : i32 to index
        %get3A_557 = arith.index_cast %get3A_555 : i32 to index
        %get3A_558 = arith.constant 0 : index
        %get3A_559 = tpu.vector_load %arg5[%get3A_556, %get3A_557, %get3A_558] {strides = array<i32>} : memref<4x8x32xf32, #tpu.memory_space<vmem>>, vector<16xf32>,
        %broadcast_in_dim3A_560 = arith.constant 6248 : i32
        %broadcast_in_dim3A_561 = vector.broadcast %broadcast_in_dim3A_560 : i32 to vector<16xi32>
        %gt3A_562 = arith.cmpf ogt, %get3A_559, %scan3A_280#5 : vector<16xf32>
        %select_n3A_563 = arith.select %gt3A_562, %get3A_559, %scan3A_280#5 : vector<16xi1>, vector<16xf32>
        %select_n3A_564 = arith.select %gt3A_562, %broadcast_in_dim3A_561, %scan3A_280#13 : vector<16xi1>, vector<16xi32>
        %get3A_565 = arith.constant 5 : i32
        %get3A_566 = arith.index_cast %add3A_232 : i32 to index
        %get3A_567 = arith.index_cast %get3A_565 : i32 to index
        %get3A_568 = arith.constant 16 : index
        %get3A_569 = tpu.vector_load %arg5[%get3A_566, %get3A_567, %get3A_568] {strides = array<i32>} : memref<4x8x32xf32, #tpu.memory_space<vmem>>, vector<16xf32>,
        %broadcast_in_dim3A_570 = arith.constant 6249 : i32
        %broadcast_in_dim3A_571 = vector.broadcast %broadcast_in_dim3A_570 : i32 to vector<16xi32>
        %gt3A_572 = arith.cmpf ogt, %get3A_569, %select_n3A_563 : vector<16xf32>
        %select_n3A_573 = arith.select %gt3A_572, %get3A_569, %select_n3A_563 : vector<16xi1>, vector<16xf32>
        %select_n3A_574 = arith.select %gt3A_572, %broadcast_in_dim3A_571, %select_n3A_564 : vector<16xi1>, vector<16xi32>
        %reduce_max3A_575 = arith.constant true
        %reduce_max3A_576 = vector.broadcast %reduce_max3A_575 : i1 to vector<16xi1>
        %reduce_max3A_577 = tpu.scan <max>, %select_n3A_573 masked %reduce_max3A_576 : vector<16xf32>, vector<16xi1> -> vector<16xf32>
        %reduce_max3A_578 = vector.extract %reduce_max3A_577[15] : f32 from vector<16xf32>
        %mul3A_579 = arith.constant 16 : i32
        %mul3A_580 = vector.broadcast %mul3A_579 : i32 to vector<16xi32>
        %mul3A_581 = arith.muli %select_n3A_574, %mul3A_580 : vector<16xi32>
        %add3A_582 = arith.addi %mul3A_581, %iota3A : vector<16xi32>
        %eq3A_583 = vector.broadcast %reduce_max3A_578 : f32 to vector<16xf32>
        %eq3A_584 = arith.cmpf oeq, %select_n3A_573, %eq3A_583 : vector<16xf32>
        %jit3A_585 = arith.constant 1073741824 : i32
        %broadcast_in_dim3A_586 = vector.broadcast %jit3A_585 : i32 to vector<16xi32>
        %select_n3A_587 = arith.select %eq3A_584, %add3A_582, %broadcast_in_dim3A_586 : vector<16xi1>, vector<16xi32>
        %reduce_min3A_588 = arith.constant true
        %reduce_min3A_589 = vector.broadcast %reduce_min3A_588 : i1 to vector<16xi1>
        %reduce_min3A_590 = arith.constant -2147483648 : i32
        %reduce_min3A_591 = vector.broadcast %reduce_min3A_590 : i32 to vector<16xi32>
        %reduce_min3A_592 = arith.xori %select_n3A_587, %reduce_min3A_591 : vector<16xi32>
        %reduce_min3A_593 = tpu.scan <min>, %reduce_min3A_592 masked %reduce_min3A_589 : vector<16xi32>, vector<16xi1> -> vector<16xi32>
        %reduce_min3A_594 = arith.xori %reduce_min3A_593, %reduce_min3A_591 : vector<16xi32>
        %reduce_min3A_595 = vector.extract %reduce_min3A_594[15] : i32 from vector<16xi32>
        %add3A_596 = arith.constant 5 : i32
        %add3A_597 = arith.addi %select_n3A_322, %add3A_596 : i32
        %eq3A_598 = vector.broadcast %add3A_597 : i32 to vector<16xi32>
        %eq3A_599 = arith.cmpi eq, %iota3A, %eq3A_598 : vector<16xi32>
        %broadcast_in_dim3A_600 = vector.broadcast %reduce_min3A_595 : i32 to vector<16xi32>
        %select_n3A_601 = arith.select %eq3A_599, %broadcast_in_dim3A_600, %select_n3A_554 : vector<16xi1>, vector<16xi32>
        %get3A_602 = arith.constant 6 : i32
        %get3A_603 = arith.index_cast %add3A_232 : i32 to index
        %get3A_604 = arith.index_cast %get3A_602 : i32 to index
        %get3A_605 = arith.constant 0 : index
        %get3A_606 = tpu.vector_load %arg5[%get3A_603, %get3A_604, %get3A_605] {strides = array<i32>} : memref<4x8x32xf32, #tpu.memory_space<vmem>>, vector<16xf32>,
        %broadcast_in_dim3A_607 = arith.constant 6248 : i32
        %broadcast_in_dim3A_608 = vector.broadcast %broadcast_in_dim3A_607 : i32 to vector<16xi32>
        %gt3A_609 = arith.cmpf ogt, %get3A_606, %scan3A_280#6 : vector<16xf32>
        %select_n3A_610 = arith.select %gt3A_609, %get3A_606, %scan3A_280#6 : vector<16xi1>, vector<16xf32>
        %select_n3A_611 = arith.select %gt3A_609, %broadcast_in_dim3A_608, %scan3A_280#14 : vector<16xi1>, vector<16xi32>
        %get3A_612 = arith.constant 6 : i32
        %get3A_613 = arith.index_cast %add3A_232 : i32 to index
        %get3A_614 = arith.index_cast %get3A_612 : i32 to index
        %get3A_615 = arith.constant 16 : index
        %get3A_616 = tpu.vector_load %arg5[%get3A_613, %get3A_614, %get3A_615] {strides = array<i32>} : memref<4x8x32xf32, #tpu.memory_space<vmem>>, vector<16xf32>,
        %broadcast_in_dim3A_617 = arith.constant 6249 : i32
        %broadcast_in_dim3A_618 = vector.broadcast %broadcast_in_dim3A_617 : i32 to vector<16xi32>
        %gt3A_619 = arith.cmpf ogt, %get3A_616, %select_n3A_610 : vector<16xf32>
        %select_n3A_620 = arith.select %gt3A_619, %get3A_616, %select_n3A_610 : vector<16xi1>, vector<16xf32>
        %select_n3A_621 = arith.select %gt3A_619, %broadcast_in_dim3A_618, %select_n3A_611 : vector<16xi1>, vector<16xi32>
        %reduce_max3A_622 = arith.constant true
        %reduce_max3A_623 = vector.broadcast %reduce_max3A_622 : i1 to vector<16xi1>
        %reduce_max3A_624 = tpu.scan <max>, %select_n3A_620 masked %reduce_max3A_623 : vector<16xf32>, vector<16xi1> -> vector<16xf32>
        %reduce_max3A_625 = vector.extract %reduce_max3A_624[15] : f32 from vector<16xf32>
        %mul3A_626 = arith.constant 16 : i32
        %mul3A_627 = vector.broadcast %mul3A_626 : i32 to vector<16xi32>
        %mul3A_628 = arith.muli %select_n3A_621, %mul3A_627 : vector<16xi32>
        %add3A_629 = arith.addi %mul3A_628, %iota3A : vector<16xi32>
        %eq3A_630 = vector.broadcast %reduce_max3A_625 : f32 to vector<16xf32>
        %eq3A_631 = arith.cmpf oeq, %select_n3A_620, %eq3A_630 : vector<16xf32>
        %jit3A_632 = arith.constant 1073741824 : i32
        %broadcast_in_dim3A_633 = vector.broadcast %jit3A_632 : i32 to vector<16xi32>
        %select_n3A_634 = arith.select %eq3A_631, %add3A_629, %broadcast_in_dim3A_633 : vector<16xi1>, vector<16xi32>
        %reduce_min3A_635 = arith.constant true
        %reduce_min3A_636 = vector.broadcast %reduce_min3A_635 : i1 to vector<16xi1>
        %reduce_min3A_637 = arith.constant -2147483648 : i32
        %reduce_min3A_638 = vector.broadcast %reduce_min3A_637 : i32 to vector<16xi32>
        %reduce_min3A_639 = arith.xori %select_n3A_634, %reduce_min3A_638 : vector<16xi32>
        %reduce_min3A_640 = tpu.scan <min>, %reduce_min3A_639 masked %reduce_min3A_636 : vector<16xi32>, vector<16xi1> -> vector<16xi32>
        %reduce_min3A_641 = arith.xori %reduce_min3A_640, %reduce_min3A_638 : vector<16xi32>
        %reduce_min3A_642 = vector.extract %reduce_min3A_641[15] : i32 from vector<16xi32>
        %add3A_643 = arith.constant 6 : i32
        %add3A_644 = arith.addi %select_n3A_322, %add3A_643 : i32
        %eq3A_645 = vector.broadcast %add3A_644 : i32 to vector<16xi32>
        %eq3A_646 = arith.cmpi eq, %iota3A, %eq3A_645 : vector<16xi32>
        %broadcast_in_dim3A_647 = vector.broadcast %reduce_min3A_642 : i32 to vector<16xi32>
        %select_n3A_648 = arith.select %eq3A_646, %broadcast_in_dim3A_647, %select_n3A_601 : vector<16xi1>, vector<16xi32>
        %get3A_649 = arith.constant 7 : i32
        %get3A_650 = arith.index_cast %add3A_232 : i32 to index
        %get3A_651 = arith.index_cast %get3A_649 : i32 to index
        %get3A_652 = arith.constant 0 : index
        %get3A_653 = tpu.vector_load %arg5[%get3A_650, %get3A_651, %get3A_652] {strides = array<i32>} : memref<4x8x32xf32, #tpu.memory_space<vmem>>, vector<16xf32>,
        %broadcast_in_dim3A_654 = arith.constant 6248 : i32
        %broadcast_in_dim3A_655 = vector.broadcast %broadcast_in_dim3A_654 : i32 to vector<16xi32>
        %gt3A_656 = arith.cmpf ogt, %get3A_653, %scan3A_280#7 : vector<16xf32>
        %select_n3A_657 = arith.select %gt3A_656, %get3A_653, %scan3A_280#7 : vector<16xi1>, vector<16xf32>
        %select_n3A_658 = arith.select %gt3A_656, %broadcast_in_dim3A_655, %scan3A_280#15 : vector<16xi1>, vector<16xi32>
        %get3A_659 = arith.constant 7 : i32
        %get3A_660 = arith.index_cast %add3A_232 : i32 to index
        %get3A_661 = arith.index_cast %get3A_659 : i32 to index
        %get3A_662 = arith.constant 16 : index
        %get3A_663 = tpu.vector_load %arg5[%get3A_660, %get3A_661, %get3A_662] {strides = array<i32>} : memref<4x8x32xf32, #tpu.memory_space<vmem>>, vector<16xf32>,
        %broadcast_in_dim3A_664 = arith.constant 6249 : i32
        %broadcast_in_dim3A_665 = vector.broadcast %broadcast_in_dim3A_664 : i32 to vector<16xi32>
        %gt3A_666 = arith.cmpf ogt, %get3A_663, %select_n3A_657 : vector<16xf32>
        %select_n3A_667 = arith.select %gt3A_666, %get3A_663, %select_n3A_657 : vector<16xi1>, vector<16xf32>
        %select_n3A_668 = arith.select %gt3A_666, %broadcast_in_dim3A_665, %select_n3A_658 : vector<16xi1>, vector<16xi32>
        %reduce_max3A_669 = arith.constant true
        %reduce_max3A_670 = vector.broadcast %reduce_max3A_669 : i1 to vector<16xi1>
        %reduce_max3A_671 = tpu.scan <max>, %select_n3A_667 masked %reduce_max3A_670 : vector<16xf32>, vector<16xi1> -> vector<16xf32>
        %reduce_max3A_672 = vector.extract %reduce_max3A_671[15] : f32 from vector<16xf32>
        %mul3A_673 = arith.constant 16 : i32
        %mul3A_674 = vector.broadcast %mul3A_673 : i32 to vector<16xi32>
        %mul3A_675 = arith.muli %select_n3A_668, %mul3A_674 : vector<16xi32>
        %add3A_676 = arith.addi %mul3A_675, %iota3A : vector<16xi32>
        %eq3A_677 = vector.broadcast %reduce_max3A_672 : f32 to vector<16xf32>
        %eq3A_678 = arith.cmpf oeq, %select_n3A_667, %eq3A_677 : vector<16xf32>
        %jit3A_679 = arith.constant 1073741824 : i32
        %broadcast_in_dim3A_680 = vector.broadcast %jit3A_679 : i32 to vector<16xi32>
        %select_n3A_681 = arith.select %eq3A_678, %add3A_676, %broadcast_in_dim3A_680 : vector<16xi1>, vector<16xi32>
        %reduce_min3A_682 = arith.constant true
        %reduce_min3A_683 = vector.broadcast %reduce_min3A_682 : i1 to vector<16xi1>
        %reduce_min3A_684 = arith.constant -2147483648 : i32
        %reduce_min3A_685 = vector.broadcast %reduce_min3A_684 : i32 to vector<16xi32>
        %reduce_min3A_686 = arith.xori %select_n3A_681, %reduce_min3A_685 : vector<16xi32>
        %reduce_min3A_687 = tpu.scan <min>, %reduce_min3A_686 masked %reduce_min3A_683 : vector<16xi32>, vector<16xi1> -> vector<16xi32>
        %reduce_min3A_688 = arith.xori %reduce_min3A_687, %reduce_min3A_685 : vector<16xi32>
        %reduce_min3A_689 = vector.extract %reduce_min3A_688[15] : i32 from vector<16xi32>
        %add3A_690 = arith.constant 7 : i32
        %add3A_691 = arith.addi %select_n3A_322, %add3A_690 : i32
        %eq3A_692 = vector.broadcast %add3A_691 : i32 to vector<16xi32>
        %eq3A_693 = arith.cmpi eq, %iota3A, %eq3A_692 : vector<16xi32>
        %broadcast_in_dim3A_694 = vector.broadcast %reduce_min3A_689 : i32 to vector<16xi32>
        %select_n3A_695 = arith.select %eq3A_693, %broadcast_in_dim3A_694, %select_n3A_648 : vector<16xi1>, vector<16xi32>
        %swap3A = arith.index_cast %select_n3A_315 : i32 to index
        %swap3A_696 = tpu.vector_load %arg6[%swap3A] {strides = array<i32>} : memref<32xi32, #tpu.memory_space<vmem>>, vector<16xi32>,
        tpu.vector_store %arg6[%swap3A], %select_n3A_695 {strides = array<i32>} : memref<32xi32, #tpu.memory_space<vmem>>, vector<16xi32>,
      } else {
      }
      %add3A_292 = arith.constant 1 : i32
      %add3A_293 = arith.addi %select_n3A_228, %add3A_292 : i32
      %eq3A_294 = arith.constant 71 : i32
      %eq3A_295 = arith.cmpi eq, %add3A_293, %eq3A_294 : i32
      %jit3A_296 = arith.constant 0 : i32
      %select_n3A_297 = arith.select %eq3A_295, %jit3A_296, %add3A_293 : i32
      %jit3A_298 = arith.constant 1 : i32
      %jit3A_299 = arith.constant 0 : i32
      %select_n3A_300 = arith.select %eq3A_295, %jit3A_298, %jit3A_299 : i32
      %add3A_301 = arith.addi %add3A_232, %select_n3A_300 : i32
      %add3A_302 = arith.constant 1 : i32
      %add3A_303 = arith.addi %select_n3A_238, %add3A_302 : i32
      %eq3A_304 = arith.constant 71 : i32
      %eq3A_305 = arith.cmpi eq, %add3A_303, %eq3A_304 : i32
      %jit3A_306 = arith.constant 0 : i32
      %select_n3A_307 = arith.select %eq3A_305, %jit3A_306, %add3A_303 : i32
      %jit3A_308 = arith.constant 1 : i32
      %jit3A_309 = arith.constant 0 : i32
      %select_n3A_310 = arith.select %eq3A_305, %jit3A_308, %jit3A_309 : i32
      %add3A_311 = arith.addi %add3A_242, %select_n3A_310 : i32
      scf.yield %scan3A_280#0, %scan3A_280#1, %scan3A_280#2, %scan3A_280#3, %scan3A_280#4, %scan3A_280#5, %scan3A_280#6, %scan3A_280#7, %scan3A_280#8, %scan3A_280#9, %scan3A_280#10, %scan3A_280#11, %scan3A_280#12, %scan3A_280#13, %scan3A_280#14, %scan3A_280#15, %add3A_301, %select_n3A_297, %add3A_311, %select_n3A_307 : vector<16xf32>, vector<16xf32>, vector<16xf32>, vector<16xf32>, vector<16xf32>, vector<16xf32>, vector<16xf32>, vector<16xf32>, vector<16xi32>, vector<16xi32>, vector<16xi32>, vector<16xi32>, vector<16xi32>, vector<16xi32>, vector<16xi32>, vector<16xi32>, i32, i32, i32, i32
    }
    %scan3A_158 = arith.constant 142 : i32
    "tpu.region"() ({
      %run_scoped3A = tpu.sem_alloc : memref<!tpu.dma_semaphore, #tpu.memory_space<semaphore_mem>>
      %dma_start3A_159 = tpu.memref_slice %arg3[%mul3A_2] : memref<1024xi32, #tpu.memory_space<hbm>> -> memref<32xi32, #tpu.memory_space<hbm>>
      %dma_start3A_160 = tpu.memref_slice %arg3[%mul3A_2] : memref<1024xi32, #tpu.memory_space<hbm>> -> memref<32xi32, #tpu.memory_space<hbm>>
      tpu.enqueue_dma source(%arg6 : memref<32xi32, #tpu.memory_space<vmem>>) target(%dma_start3A_160 : memref<32xi32, #tpu.memory_space<hbm>>) target_semaphore(%run_scoped3A : memref<!tpu.dma_semaphore, #tpu.memory_space<semaphore_mem>>)
      %dma_wait3A_161 = tpu.memref_slice %arg3[%mul3A_2] : memref<1024xi32, #tpu.memory_space<hbm>> -> memref<32xi32, #tpu.memory_space<hbm>>
      %dma_wait3A_162 = tpu.memref_slice %arg3[%mul3A_2] : memref<1024xi32, #tpu.memory_space<hbm>> -> memref<32xi32, #tpu.memory_space<hbm>>
      tpu.wait_dma2 semaphore(%run_scoped3A : memref<!tpu.dma_semaphore, #tpu.memory_space<semaphore_mem>>) src(%arg6 : memref<32xi32, #tpu.memory_space<vmem>>) dst(%dma_wait3A_162 : memref<32xi32, #tpu.memory_space<hbm>>)
      tpu.yield
    }) : () -> ()
    return
  }
}

</mosaic_0001>

<sc_bundles>
// kernel: kernel.3.cloned.1.call-start
scs
__scs_entry_jumppad:
0x0: {  	(pc) =	sbr.rel $0x88, $3  }
0x1: {  	(tag) =	ssettag $0x0;
	lr =	simm.s32 $0x1  }
0x2: {  	[smem:$0x3FA0] =	sst lr;
	_ =	strace $0xD0000000  }
0x3: {  	_ = 	snop  }
0x4: {  	_ = 	snop  }
0x5: {  	_ = 	snop  }
0x6: {  	_ = 	snop  }
0x7: {  	_ = 	snop  }
__scs_overlays_trampoline_lowered:
0x8: {  	[smem:$0x3FAF] =	sst s0  }
0x9: {  	[smem:$0x3FB0] =	sst s1  }
0xa: {  	[smem:$0x3FB1] =	sst s2  }
0xb: {  	[smem:$0x3FB2] =	sst s3  }
0xc: {  	[smem:$0x3FB3] =	sst s4  }
0xd: {  	[smem:$0x3FB4] =	sst s5  }
0xe: {  	[smem:$0x3FB5] =	sst s6  }
0xf: {  	[smem:$0x3FB6] =	sst s7  }
0x10: {  	[smem:$0x3FB7] =	sst s8  }
0x11: {  	[smem:$0x3FB8] =	sst s9;
	s0 =	simm.s32 @!p0 $0x0  }
0x12: {  	s1 =	sld [smem:$0x3F9E];
	s0 =	simm.s32 @p0 $0x1  }
0x13: {  	[smem:$0x3FB9] =	sst s0;
	s0 =	simm.s32 @!p1 $0x0  }
0x14: {  	s2 =	sld [smem:$0x3F9D];
	s0 =	simm.s32 @p1 $0x1  }
0x15: {  	[smem:$0x3FBA] =	sst s0;
	s0 =	simm.s32 @!p2 $0x0  }
0x16: {  	s3 =	sld [smem:$0x3FDB];
	s0 =	simm.s32 @p2 $0x1  }
0x17: {  	s4 =	simm.s32 $0x1BF5;
	[smem:$0x3FBC] =	sst s0  }
0x18: {  	s0 =	sld [smem:$0x3F9F];
	_ =	swait.ge [sflag:s4], $0x0  }
0x19: {  	s7 =	sld [smem:$0x3FA0]  }
0x1a: {  	s8 =	sadd.s32 $0xFFFFE003, lr  }
0x1b: {  	s9 =	sadd.s32 $0xFFFFFEF7, lr;
	s5 =	simm.s32 $0xFFFFFFFF;
	p2 =	slt.u32 s8, $0xFFFFF086  }
0x1c: {  	p1 =	slt.u32 s9, $0xF7A;
	s5 =	simm.s32 @!p2 $0x0  }
0x1d: {  	s5 =	simm.s32 @p1 $0x1;
	p0 =	seq.s32 s7, s2  }
0x1e: {  	s7 =	smul.u32 @!p0 $0xF7A, s2;
	p2 =	seq.s32 @!p0 s5, $0x0  }
0x1f: {  	s9 =	smul.u32 $0xF7A, s1;
	s8 =	simm.s32 @!p0 $0x1BF5;
	p2 =	por !p2, p0  }
0x20: {  	[sflag:s8] =	ssyncset.s32 @!p0 $0xFFFFF086;
	s6 =	sadd.s32 @!p0 s3, s7;
	s7 =	simm.s32 @!p0 $0x108  }
0x21: {  	s3 =	sadd.s32 s3, s9;
	s6 =	sadd.s32 @!p0 $0x88, s6;
	s7 =	simm.s32 @p2 $0x1082  }
0x22: {  	[simem:s7], [sflag:s8] =	dma.local @!p0 [hbm:s6], $0xF7A  }
0x23: {  	s9 =	sor.u32 $0xD0000000, s2;
	s6 =	simm.s32 $0x108;
	_ =	swait.ge @!p0 [sflag:s8], $0x0  }
0x24: {  	s3 =	sadd.s32 $0x88, s3;
	s6 =	simm.s32 @!p1 $0x1082;
	[sflag:s4] =	ssyncset.s32 $0xFFFFF086  }
0x25: {  	[simem:s6], [sflag:s4] =	dma.local [hbm:s3], $0xF7A  }
0x26: {  	[smem:$0x3FA0] =	sst s1;
	(tag) =	ssettag s2;
	_ =	strace s9  }
0x27: {  	s1 =	sld [smem:$0x3FB0]  }
0x28: {  	s2 =	sld [smem:$0x3FB1]  }
0x29: {  	s4 =	sld [smem:$0x3FB3]  }
0x2a: {  	p0 =	seq.s32 s5, $0x0;
	s5 =	sld [smem:$0x3FB4]  }
0x2b: {  	s6 =	sld [smem:$0x3FB5]  }
0x2c: {  	s7 =	sld [smem:$0x3FB6]  }
0x2d: {  	s3 =	simm.s32 $0x108;
	s8 =	sld [smem:$0x3FB7]  }
0x2e: {  	s3 =	simm.s32 @!p0 $0x1082;
	s9 =	sld [smem:$0x3FB8]  }
0x2f: {  	lr =	sadd.s32 s0, s3;
	s0 =	sld [smem:$0x3FAF]  }
0x30: {  	s3 =	sld [smem:$0x3FB2]  }
0x31: {  	[smem:$0x3FBB] =	sst s10  }
0x32: {  	s10 =	sld [smem:$0x3FB9];
	_ =	sdelay $0x3  }
0x33: {  	p0 =	seq.s32 s10, $0x1;
	s10 =	sld [smem:$0x3FBB];
	_ =	sdelay $0x3  }
0x34: {  	[smem:$0x3FBB] =	sst s10  }
0x35: {  	s10 =	sld [smem:$0x3FBA];
	_ =	sdelay $0x3  }
0x36: {  	p1 =	seq.s32 s10, $0x1;
	s10 =	sld [smem:$0x3FBB];
	_ =	sdelay $0x3  }
0x37: {  	[smem:$0x3FBB] =	sst s10  }
0x38: {  	s10 =	sld [smem:$0x3FBC]  }
0x39: {  	_ = 	snop;
	(pc) =	sbr.ind lr, $3  }
0x3a: {  	_ = 	snop  }
0x3b: {  	_ = 	snop  }
0x3c: {  	p2 =	seq.s32 s10, $0x1;
	s10 =	sld [smem:$0x3FBB]  }
0x3d: {  	_ =	shalt  }
0x3e: {  	_ =	shalt  }
0x3f: {  	_ =	shalt  }
0x40: {  	_ =	shalt  }
0x41: {  	_ =	shalt  }
0x42: {  	_ =	shalt  }
0x43: {  	_ =	shalt  }
0x44: {  	_ =	shalt  }
0x45: {  	_ =	shalt  }
0x46: {  	_ =	shalt  }
0x47: {  	_ =	shalt  }
0x48: {  	_ =	shalt  }
0x49: {  	_ =	shalt  }
0x4a: {  	_ =	shalt  }
0x4b: {  	_ =	shalt  }
0x4c: {  	_ =	shalt  }
0x4d: {  	_ =	shalt  }
0x4e: {  	_ =	shalt  }
0x4f: {  	_ =	shalt  }
0x50: {  	_ =	shalt  }
0x51: {  	_ =	shalt  }
0x52: {  	_ =	shalt  }
0x53: {  	_ =	shalt  }
0x54: {  	_ =	shalt  }
0x55: {  	_ =	shalt  }
0x56: {  	_ =	shalt  }
0x57: {  	_ =	shalt  }
0x58: {  	_ =	shalt  }
0x59: {  	_ =	shalt  }
0x5a: {  	_ =	shalt  }
0x5b: {  	_ =	shalt  }
0x5c: {  	_ =	shalt  }
0x5d: {  	_ =	shalt  }
0x5e: {  	_ =	shalt  }
0x5f: {  	_ =	shalt  }
0x60: {  	_ =	shalt  }
0x61: {  	_ =	shalt  }
0x62: {  	_ =	shalt  }
0x63: {  	_ =	shalt  }
0x64: {  	_ =	shalt  }
0x65: {  	_ =	shalt  }
0x66: {  	_ =	shalt  }
0x67: {  	_ =	shalt  }
0x68: {  	_ =	shalt  }
0x69: {  	_ =	shalt  }
0x6a: {  	_ =	shalt  }
0x6b: {  	_ =	shalt  }
0x6c: {  	_ =	shalt  }
0x6d: {  	_ =	shalt  }
0x6e: {  	_ =	shalt  }
0x6f: {  	_ =	shalt  }
0x70: {  	_ =	shalt  }
0x71: {  	_ =	shalt  }
0x72: {  	_ =	shalt  }
0x73: {  	_ =	shalt  }
0x74: {  	_ =	shalt  }
0x75: {  	_ =	shalt  }
0x76: {  	_ =	shalt  }
0x77: {  	_ =	shalt  }
0x78: {  	_ =	shalt  }
0x79: {  	_ =	shalt  }
0x7a: {  	_ =	shalt  }
0x7b: {  	_ =	shalt  }
0x7c: {  	_ =	shalt  }
0x7d: {  	_ =	shalt  }
0x7e: {  	_ =	shalt  }
0x7f: {  	_ =	shalt  }
0x80: {  	_ =	shalt  }
0x81: {  	_ =	shalt  }
0x82: {  	_ =	shalt  }
0x83: {  	_ =	shalt  }
0x84: {  	_ =	shalt  }
0x85: {  	_ =	shalt  }
0x86: {  	_ =	shalt  }
0x87: {  	_ =	shalt  }
.Lfunc_end0:
.L_simem_size_0:
called_computation_lowered:
.L_overlay_start_0:
0x88: {  	s2 =	sld [smem:$0x3FD9]  }
0x89: {  	s3 =	sld [smem:$0x3FFE];
	_ =	sdelay $0x1  }
0x8a: {  	s1 =	srdreg.scid  }
0x8b: {  	s0 =	sand.u32 $0x1, s1  }
0x8c: {  	s17 =	sshll.u32 s0, $0xA;
	s2 =	sadd.s32 s3, s2  }
0x8d: {  	s2 =	sadd.s32 s2, s17  }
0x8e: {  	[smem:$0x3FC7] =	sst s2  }
0x8f: {  	_ = 	snop  }
0x90: {  	s2 =	sld [smem:$0x3FD0];
	(tm) =	ssettm $0x1  }
0x91: {  	s18 =	sld [smem:$0x3FFB];
	_ =	sdelay $0x3  }
0x92: {  	_ =	strace s18  }
0x93: {  	s3 =	sld [smem:$0x3FFC];
	_ =	sdelay $0x3  }
0x94: {  	_ =	strace s3  }
0x95: {  	s3 =	sld [smem:$0x3FFD];
	_ =	sdelay $0x3  }
0x96: {  	_ =	strace s3  }
0x97: {  	_ =	strace $0x8FFFFFFF  }
0x98: {  	s19 =	sld [smem:$0x3FDB];
	_ =	sdelay $0x1  }
0x99: {  	s4 =	simm.s32 $_scs_section_size  }
0x9a: {  	s5 =	simm.s32 $_size__tile_overlayer_lowered;
	s6 =	simm.s32 $_tile_overlayer_lowered  }
0x9b: {  	s22 =	simm.s32 $0x1BFF;
	s21 =	sshll.u32 s6, $0x1;
	s3 =	sadd.s32 s4, s19  }
0x9c: {  	s7 =	simm.s32 $0x0;
	s20 =	sshll.u32 s5, $0x1;
	s5 =	sadd.s32 s21, s3  }
0x9d: {  	[timem:s7], [sflag:s22] =	dma.local [hbm:s5], s20  }
0x9e: {  	_ =	swait.ge [sflag:s22], s20  }
0x9f: {  	s4 =	ssub.s32 $0x0, s20;
	[sflag:s22] =	ssyncset.done $0x0  }
0xa0: {  	[sflag:s22] =	ssyncadd.s32 s4;
	_ =	sdelay $0x1  }
0xa1: {  	s23 =	simm.s32 $0x1B8B  }
0xa2: {  	_ =	swait.ge [sflag:s23], $0x1  }
0xa3: {  	[sflag:s23] =	ssyncset.done $0x0  }
0xa4: {  	s25 =	simm.s32 $0x1B8E;
	s24 =	sld [smem:$0x3FFE];
	[sflag:s23] =	ssyncadd.s32 $0xFFFFFFFF  }
0xa5: {  	s26 =	simm.s32 $execute0_lowered;
	[smem:$0x3FD2] =	sst s25  }
0xa6: {  	s5 =	sshll.u32 s26, $0x1;
	_ =	strace $0x80000046;
	[dreg:$0x1] =	wrdreg $0xFFFFFFFF  }
0xa7: {  	s28 =	simm.s32 $_size_execute0_lowered;
	s3 =	sadd.s32 s3, s5;
	[dreg:$0x0] =	wrdreg $0x0  }
0xa8: {  	s5 =	sshll.u32 s28, $0x1;
	[dreg:$0x2] =	wrdreg s3  }
0xa9: {  	[dreg:$0x3] =	wrdreg s5  }
0xaa: {  	[dreg:$0x4] =	wrdreg $0xC0  }
0xab: {  	_ =	task [dreg:s7], $0x5FFFF  }
0xac: {  	[dreg:$0x1] =	wrdreg $0xFFFFFFFF  }
0xad: {  	[dreg:$0x0] =	wrdreg $0x60  }
0xae: {  	[dreg:$0x2] =	wrdreg s24  }
0xaf: {  	[dreg:$0x3] =	wrdreg s2  }
0xb0: {  	[dreg:$0x4] =	wrdreg $0x9  }
0xb1: {  	_ =	task.clear_ibuf [dreg:s7], $0x5FFFF;
	_ =	strace $0x90000046  }
0xb2: {  	s29 =	simm.s32 $0x9;
	_ =	strace $0x80000048  }
0xb3: {  	_ =	swait.ge [sflag:s29], $0x1  }
0xb4: {  	[sflag:s29] =	ssyncadd.s32 $0xFFFFFFFF  }
0xb5: {  	_ =	strace $0x90000048  }
0xb6: {  	_ =	sfence  }
0xb7: {  	s30 =	sld [smem:$0x0];
	_ =	sdelay $0x2  }
0xb8: {  	s31 =	sshll.u32 s1, $0xD;
	s1 =	sshrl.u32 s1, $0x2  }
0xb9: {  	s3 =	sand.u32 $0x4000, s31;
	s1 =	sadd.s32 s1, s30  }
0xba: {  	s0 =	sor.u32 s3, s0;
	s1 =	sshll.u32 s1, $0x11  }
0xbb: {  	s0 =	sor.u32 s1, s0  }
0xbc: {  	s0 =	sadd.s32 $0x8F2B, s0  }
0xbd: {  	[sflag:s0] =	ssyncadd.remote.s32 $0x1  }
0xbe: {  	_ =	sfence.sel $0xFFFF  }
0xbf: {  	[dreg:$0x0] =	wrdreg $0xFFFFFFFF;
	(pc) =	sbr.abs _section_cstart, $3  }
0xc0: {  	[dreg:$0x1] =	wrdreg $0xFFFFFFFF  }
0xc1: {  	_ =	task.clear_ibuf [dreg:s7], $0x2FFFF;
	_ =	strace $0x9FFFFFFF  }
0xc2: {  	(tm) =	ssettm $0x7FFFFFFF  }
0xc3: {  	_ =	shalt  }
tec
execute0_lowered:
.L_overlay_start_1:
0x0: {  	(tag) =	ssettag $0x1  }
0x1: {  	s0 =	srdreg.scid  }
0x2: {  	s2 =	stileid.u32;
	s0 =	sand.u32 $0x1, s0  }
0x3: {  	s1 =	rddreg [dreg:$0x0];
	s2 =	sshll.u32 s2, $0x3;
	s3 =	sshll.u32 s0, $0x2  }
0x4: {  	s6 =	rddreg [dreg:$0x1];
	s2 =	sor.u32 s3, s2  }
0x5: {  	s17 =	simm.s32 $0x3;
	s19 =	simm.s32 $0x1;
	s5 =	smul.u32 $0xC3800, s2  }
0x6: {  	s20 =	simm.s32 $0x2;
	s22 =	simm.s32 $0x4;
	s23 =	simm.s32 $0x0  }
0x7: {  	s4 =	sadd.s32 $0x400, s1;
	s0 =	ssub.s32 $0x2, s0;
	s5 =	sshrl.u32 s5, $0x3  }
0x8: {  	s3 =	simm.s32 $0x0;
	s26 =	sshrl.u32 s0, $0x1;
	s5 =	sadd.s32 s4, s5  }
.Ltmp0:
0x9: {  	[smem:$0x7FF] =	sst s3;
	s28 =	sadd.s32 $0x18680, s5;
	(pc) =	sbr.rel .LBB2_1-.Ltmp0, $4  }
0xa: {  	_ =	strace $0x80000047;
	s29 =	sadd.s32 $0x30D80, s5;
	[dreg:$0x3] =	wrdreg s28  }
0xb: {  	s0 =	ssub.s32 s0, s26;
	s30 =	sadd.s32 $0x49480, s5;
	[dreg:$0x4] =	wrdreg s29  }
0xc: {  	s11 =	sadd.s32 s6, s2;
	s31 =	sadd.s32 $0x61B80, s5;
	[dreg:$0x5] =	wrdreg s30  }
0xd: {  	v0 =	vlaneseq.u32;
	s12 =	smax.u32 s0, $0x1;
	s10 =	sadd.s32 $0x580, s5;
	[dreg:$0x6] =	wrdreg s31  }
.LBB2_11:
0xe: {  	s23 =	sadd.s32 $0x1, s23  }
0xf: {  	p0 =	sne.s32 s23, s12  }
.Ltmp1:
0x10: {  	s0 =	simm.s32 $0x6800;
	(pc) =	sbr.rel @!p0 .LBB2_12-.Ltmp1, $4  }
0x11: {  	[hbm4b:s11+s3] =	stream.linear.scatter [tilespmem:s0], [sflag:$0x4], $0x20, $0x38;
	[tilespmem:$0x6880] =	vst v63  }
0x12: {  	_ =	swait.ge [sflag:s22], $0x20  }
0x13: {  	[sflag:s22] =	ssyncset.done $0x0  }
0x14: {  	[sflag:s22] =	ssyncadd.s32 $0xFFFFFFE0  }
.LBB2_1:
0x15: {  	s0 =	rddreg [dreg:$0x3];
	s1 =	simm.s32 $0x5800  }
0x16: {  	[tilespmem:s1], [sflag:$0x3] =	stream.linear.gather [hbm4b:s0+s3], $0x400, $0x38;
	[tilespmem:$0x6880] =	vst v63  }
0x17: {  	s18 =	rddreg [dreg:$0x4];
	s21 =	simm.s32 $0x5C00  }
0x18: {  	[tilespmem:s21], [sflag:$0x3] =	stream.linear.gather [hbm4b:s18+s3], $0x400, $0x38;
	[tilespmem:$0x6880] =	vst v63  }
0x19: {  	s24 =	rddreg [dreg:$0x5];
	s25 =	simm.s32 $0x6000  }
0x1a: {  	[tilespmem:s25], [sflag:$0x3] =	stream.linear.gather [hbm4b:s24+s3], $0x400, $0x38;
	[tilespmem:$0x6880] =	vst v63  }
0x1b: {  	s26 =	rddreg [dreg:$0x6];
	s30 =	simm.s32 $0x6400  }
0x1c: {  	[tilespmem:s30], [sflag:$0x3] =	stream.linear.gather [hbm4b:s26+s3], $0x400, $0x38;
	[tilespmem:$0x6880] =	vst v63  }
0x1d: {  	_ =	swait.ge [sflag:s17], $0x400  }
0x1e: {  	[sflag:s17] =	ssyncset.done $0x0  }
0x1f: {  	[sflag:s17] =	ssyncadd.s32 $0xFFFFFC00  }
0x20: {  	_ =	swait.ge [sflag:s17], $0x400  }
0x21: {  	[sflag:s17] =	ssyncset.done $0x0  }
0x22: {  	[sflag:s17] =	ssyncadd.s32 $0xFFFFFC00  }
0x23: {  	_ =	swait.ge [sflag:s17], $0x400  }
0x24: {  	[sflag:s17] =	ssyncset.done $0x0  }
0x25: {  	[sflag:s17] =	ssyncadd.s32 $0xFFFFFC00  }
0x26: {  	v5 =	vimm.f32 $-Inf;
	_ =	swait.ge [sflag:s17], $0x400  }
.Ltmp2:
0x27: {  	v4 =	vimm.s32 $0x0;
	v6 =	vimm.s32 $0x0;
	v7 =	vimm.s32 $0x0;
	s31 =	simm.s32 $0x2C00;
	[sflag:s17] =	ssyncset.done $0x0;
	(pc) =	sbr.rel .LBB2_2-.Ltmp2, $4  }
0x28: {  	v13 =	vimm.s32 $0x0;
	v15 =	vimm.s32 $0x0;
	v14 =	vimm.s32 $0x0;
	s28 =	simm.s32 $0x2;
	s29 =	simm.s32 $0x0;
	[sflag:s17] =	ssyncadd.s32 $0xFFFFFC00  }
0x29: {  	v1 =	vimm.s32 $0x0;
	v16 =	vimm.s32 $0x0;
	v11 =	vimm.f32 $-Inf;
	[tilespmem:s3], [sflag:$0x1] =	stream.linear.gather [hbm4b:s5+s3], $0x2C00, $0x38;
	[tilespmem:$0x6880] =	vst v63  }
0x2a: {  	v12 =	vimm.f32 $-Inf;
	v8 =	vimm.f32 $-Inf;
	v9 =	vimm.f32 $-Inf;
	s25 =	simm.s32 $0x0;
	s24 =	simm.s32 $0x0;
	s26 =	simm.s32 $0x0  }
0x2b: {  	v10 =	vimm.f32 $-Inf;
	v3 =	vimm.f32 $-Inf;
	v2 =	vimm.f32 $-Inf;
	[tilespmem:s31], [sflag:$0x2] =	stream.linear.gather [hbm4b:s10+s3], $0x2C00, $0x38;
	[tilespmem:$0x6880] =	vst v63  }
.LBB2_10:
0x2c: {  	s29 =	sadd.s32 $0x1, s29  }
0x2d: {  	s0 =	simm.s32 $0x1;
	s24 =	sadd.s32 $0x1, s24;
	p0 =	seq.s32 s29, $0x47  }
0x2e: {  	s29 =	simm.s32 @p0 $0x0;
	s0 =	simm.s32 @!p0 $0x0;
	p0 =	sne.s32 s24, $0x8E  }
.Ltmp3:
0x2f: {  	_ = 	snop;
	(pc) =	sbr.rel @!p0 .LBB2_11-.Ltmp3, $4  }
0x30: {  	s28 =	sadd.s32 $0x1, s28  }
0x31: {  	s1 =	simm.s32 $0x1;
	p1 =	seq.s32 s28, $0x47  }
0x32: {  	s1 =	simm.s32 @!p1 $0x0  }
0x33: {  	s28 =	simm.s32 @p1 $0x0;
	s25 =	sadd.s32 s0, s25;
	s26 =	sadd.s32 s1, s26  }
.LBB2_2:
0x34: {  	_ =	swait.ge [sflag:s19], $0x2C00;
	s30 =	simm.s32 $0x10;
	s1 =	simm.s32 $0x0  }
0x35: {  	[sflag:s19] =	ssyncset.done $0x0;
	s0 =	sand.u32 $0x3C00, s1;
	s6 =	sand.u32 $0x70, s30  }
0x36: {  	s13 =	simm.s32 $0x0;
	[sflag:s19] =	ssyncadd.s32 $0xFFFFD400;
	s6 =	sor.u32 s6, s0  }
0x37: {  	s13 =	sand.u32 $0x60, s13;
	v17 =	vld [tilespmem:s6+$0x0]  }
0x38: {  	s13 =	sor.u32 s13, s0;
	v19 =	vld [tilespmem:s6+$0x80]  }
0x39: {  	v18 =	vld [tilespmem:s13+$0x0]  }
0x3a: {  	p0 =	seq.s32 s29, $0x0;
	v20 =	vld [tilespmem:s13+$0x80]  }
0x3b: {  	v25 =	vpsel p0, $0xFF800000, v5;
	v5 =	vpsel p0, $0x0, v16;
	v16 =	vpsel p0, $0x0, v14;
	v14 =	vld [tilespmem:s13+$0x180]  }
0x3c: {  	v28 =	vpsel p0, $0x0, v6;
	v6 =	vld [tilespmem:s13+$0x200]  }
0x3d: {  	v2 =	vpsel p0, $0xFF800000, v2;
	v3 =	vpsel p0, $0xFF800000, v3;
	v26 =	vld [tilespmem:s13+$0x280]  }
0x3e: {  	v10 =	vpsel p0, $0xFF800000, v10;
	v9 =	vpsel p0, $0xFF800000, v9;
	v8 =	vpsel p0, $0xFF800000, v8;
	s14 =	sand.u32 $0x3, s1;
	v21 =	vld [tilespmem:s6+$0x100]  }
0x3f: {  	s18 =	smul.u32 $0x58, s29;
	v23 =	vpsel p0, $0xFF800000, v12;
	v11 =	vpsel p0, $0xFF800000, v11;
	v1 =	vpsel p0, $0x0, v1;
	s14 =	sshll.u32 s14, $0x5;
	v22 =	vld [tilespmem:s6+$0x180]  }
0x40: {  	v15 =	vpsel p0, $0x0, v15;
	v27 =	vpsel p0, $0x0, v13;
	v7 =	vpsel p0, $0x0, v7;
	s1 =	sand.u32 $0x7, s1;
	v24 =	vld [tilespmem:s6+$0x200];
	s14 =	sadd.s32 $0x0, s14  }
0x41: {  	v29 =	vpsel p0, $0x0, v4;
	s31 =	sor.u32 $0x1, s18;
	s1 =	sshll.u32 s1, $0x4;
	v12 =	vld [tilespmem:s13+$0x100];
	s21 =	sor.u32 $0x300, s14;
	vm0 =	vgt.f32 v18, v2;
	vm1 =	vgt.f32 v20, v3  }
0x42: {  	s0 =	sadd.s32 $0xFFFFFFFF, s31;
	s1 =	sadd.s32 $0x10, s1;
	s7 =	sor.u32 $0x380, s14;
	v31 =	vld [tilespmem:s21+$0x0];
	vm2 =	vgt.f32 v14, v9;
	vm3 =	vgt.f32 v6, v8;
	vm7 =	vgt.f32 v26, v23  }
0x43: {  	s8 =	simm.s32 $0x30;
	s13 =	simm.s32 $0x100;
	s9 =	sor.u32 $0x300, s1;
	v32 =	vld [tilespmem:s7+$0x0];
	v2 =	vsel vm0, v18, v2;
	v3 =	vsel vm1, v20, v3;
	v4 =	vsel vm1, s0, v1  }
0x44: {  	v30 =	vld [tilespmem:s6+$0x280];
	s15 =	sand.u32 $0x3C00, s13;
	s14 =	sand.u32 $0x70, s8;
	s1 =	sor.u32 $0x380, s1;
	v1 =	vsel vm0, s0, v5;
	v5 =	vsel vm2, v14, v9;
	v8 =	vsel vm3, v6, v8  }
0x45: {  	s14 =	sor.u32 s14, s15;
	v9 =	vld [tilespmem:s1+$0x0];
	v7 =	vsel vm7, s0, v7;
	v15 =	vsel vm2, s0, v15;
	v27 =	vsel vm3, s0, v27  }
0x46: {  	s16 =	simm.s32 $0x20;
	v20 =	vld [tilespmem:s14+$0x80];
	vm0 =	vgt.f32 v17, v2;
	vm1 =	vgt.f32 v19, v3;
	vm5 =	vgt.f32 v22, v5  }
0x47: {  	s1 =	sand.u32 $0x60, s16;
	vm6 =	vgt.f32 v24, v8;
	vm8 =	vgt.f32 v31, v11;
	v18 =	vsel vm0, v17, v2;
	v17 =	vld [tilespmem:s9+$0x0]  }
0x48: {  	vm9 =	vgt.f32 v32, v25;
	s21 =	sor.u32 s1, s15;
	v2 =	vsel vm1, v19, v3;
	v3 =	vsel vm1, s31, v4;
	v19 =	vld [tilespmem:s14+$0x0]  }
0x49: {  	vm1 =	vgt.f32 v12, v10;
	v13 =	vsel vm6, v24, v8;
	v8 =	vsel vm7, v26, v23;
	v26 =	vld [tilespmem:s21+$0x80]  }
0x4a: {  	v23 =	vld [tilespmem:s21+$0x180];
	v15 =	vsel vm5, s31, v15;
	v4 =	vsel vm1, v12, v10;
	v12 =	vsel vm5, v22, v5  }
0x4b: {  	v24 =	vld [tilespmem:s21+$0x200];
	v10 =	vsel vm8, v31, v11;
	v11 =	vsel vm9, v32, v25;
	vm10 =	vgt.f32 v30, v8  }
0x4c: {  	v25 =	vld [tilespmem:s21+$0x0];
	v16 =	vsel vm1, s0, v16;
	vm4 =	vgt.f32 v21, v4;
	v14 =	vsel vm10, v30, v8  }
0x4d: {  	v5 =	vld [tilespmem:s14+$0x180];
	v8 =	vsel vm8, s0, v28;
	v6 =	vsel vm4, v21, v4;
	vm12 =	vgt.f32 v9, v11  }
0x4e: {  	s15 =	simm.s32 $0x1;
	v22 =	vld [tilespmem:s21+$0x100];
	v11 =	vsel vm12, v9, v11;
	v9 =	vsel vm10, s31, v7;
	vm11 =	vgt.f32 v17, v10  }
0x4f: {  	s16 =	simm.s32 $0x2;
	s1 =	sadd.s32 $0x2, s31;
	s18 =	sand.u32 $0x3, s15;
	v4 =	vld [tilespmem:s14+$0x100];
	v10 =	vsel vm11, v17, v10;
	v17 =	vsel vm9, s0, v29;
	v7 =	vsel vm11, s31, v8  }
0x50: {  	s6 =	sshll.u32 s18, $0x5;
	s18 =	simm.s32 $0x50;
	v21 =	vld [tilespmem:s14+$0x200];
	s0 =	sadd.s32 $0xFFFFFFFF, s1;
	v8 =	vsel vm12, s31, v17;
	v17 =	vsel vm4, s31, v16;
	v16 =	vsel vm6, s31, v27  }
.LBB2_3:
0x51: {  	p0 =	sne.s32 s18, $0x570;
	s7 =	sand.u32 $0x7, s16;
	s6 =	sadd.s32 s6, s13;
	vm1 =	vgt.f32 v25, v18;
	vm2 =	vgt.f32 v26, v2;
	v27 =	vld [tilespmem:s14+$0x280];
	v1 =	vsel vm0, s31, v1  }
0x52: {  	s30 =	sadd.s32 $0x100, s30;
	s7 =	sshll.u32 s7, $0x4;
	v18 =	vsel vm1, v25, v18;
	v2 =	vsel vm2, v26, v2;
	v3 =	vsel vm2, s0, v3;
	v25 =	vld [tilespmem:s21+$0x280];
	s14 =	sor.u32 $0x300, s6  }
0x53: {  	s31 =	smov.u32 s1;
	v1 =	vsel vm1, s0, v1;
	s6 =	sor.u32 $0x380, s6;
	s7 =	sadd.s32 s7, s30;
	v26 =	vld [tilespmem:s14+$0x0];
	vm0 =	vgt.f32 v19, v18;
	vm1 =	vgt.f32 v20, v2  }
0x54: {  	s13 =	sadd.s32 $0x100, s13;
	v28 =	vld [tilespmem:s6+$0x0];
	v18 =	vsel vm0, v19, v18;
	v2 =	vsel vm1, v20, v2;
	v3 =	vsel vm1, s1, v3;
	s6 =	sor.u32 $0x300, s7  }
0x55: {  	s21 =	sand.u32 $0x3C00, s13;
	s14 =	sand.u32 $0x70, s18;
	vm1 =	vgt.f32 v22, v6;
	vm2 =	vgt.f32 v23, v12;
	vm3 =	vgt.f32 v24, v13;
	v29 =	vld [tilespmem:s6+$0x0];
	s6 =	sor.u32 $0x380, s7  }
0x56: {  	s14 =	sor.u32 s14, s21;
	v6 =	vsel vm1, v22, v6;
	v12 =	vsel vm2, v23, v12;
	v13 =	vsel vm3, v24, v13;
	v22 =	vld [tilespmem:s6+$0x0]  }
0x57: {  	vm4 =	vgt.f32 v4, v6;
	vm5 =	vgt.f32 v5, v12;
	v19 =	vld [tilespmem:s14+$0x0];
	vm6 =	vgt.f32 v21, v13  }
0x58: {  	s6 =	sadd.s32 $0xFFFFFFF0, s18;
	v6 =	vsel vm4, v4, v6;
	v12 =	vsel vm5, v5, v12;
	v20 =	vld [tilespmem:s14+$0x80];
	v13 =	vsel vm6, v21, v13  }
0x59: {  	s6 =	sand.u32 $0x60, s6;
	vm7 =	vgt.f32 v25, v14;
	vm8 =	vgt.f32 v26, v10;
	v4 =	vld [tilespmem:s14+$0x100];
	vm9 =	vgt.f32 v28, v11  }
0x5a: {  	s21 =	sor.u32 s6, s21;
	v14 =	vsel vm7, v25, v14;
	v10 =	vsel vm8, v26, v10;
	v5 =	vld [tilespmem:s14+$0x180];
	v11 =	vsel vm9, v28, v11  }
0x5b: {  	vm10 =	vgt.f32 v27, v14;
	vm11 =	vgt.f32 v29, v10;
	v25 =	vld [tilespmem:s21+$0x0];
	vm12 =	vgt.f32 v22, v11  }
.Ltmp4:
0x5c: {  	v14 =	vsel vm10, v27, v14;
	v10 =	vsel vm11, v29, v10;
	v26 =	vld [tilespmem:s21+$0x80];
	v11 =	vsel vm12, v22, v11;
	(pc) =	sbr.rel @p0 .LBB2_3-.Ltmp4, $4  }
0x5d: {  	v9 =	vsel vm7, s0, v9;
	v7 =	vsel vm8, s0, v7;
	v8 =	vsel vm9, s0, v8;
	v21 =	vld [tilespmem:s14+$0x200]  }
0x5e: {  	s15 =	sadd.s32 $0x1, s15;
	v9 =	vsel vm10, s1, v9;
	v7 =	vsel vm11, s1, v7;
	v8 =	vsel vm12, s1, v8;
	v22 =	vld [tilespmem:s21+$0x100]  }
0x5f: {  	s16 =	sadd.s32 $0x2, s16;
	v17 =	vsel vm1, s0, v17;
	v15 =	vsel vm2, s0, v15;
	v16 =	vsel vm3, s0, v16;
	s6 =	sand.u32 $0x3, s15;
	s1 =	sadd.s32 $0x2, s1;
	v23 =	vld [tilespmem:s21+$0x180]  }
0x60: {  	s18 =	sadd.s32 $0x20, s18;
	v17 =	vsel vm4, s31, v17;
	v15 =	vsel vm5, s31, v15;
	v16 =	vsel vm6, s31, v16;
	s6 =	sshll.u32 s6, $0x5;
	s0 =	sadd.s32 $0xFFFFFFFF, s1;
	v24 =	vld [tilespmem:s21+$0x200]  }
0x61: {  	vm1 =	vgt.f32 v25, v18;
	s7 =	sand.u32 $0x7, s16  }
0x62: {  	vm2 =	vgt.f32 v26, v2;
	v1 =	vsel vm0, s31, v1;
	v28 =	vld [tilespmem:s21+$0x280];
	s21 =	sadd.s32 $0x100, s30;
	v18 =	vsel vm1, v25, v18;
	s7 =	sshll.u32 s7, $0x4  }
0x63: {  	s6 =	sadd.s32 s6, s13;
	p0 =	sgt.s32 s26, $0x3;
	v61 =	vsel vm2, v26, v2;
	v62 =	vsel vm2, s0, v3;
	v29 =	vsel vm1, s0, v1;
	s7 =	sadd.s32 s7, s21  }
0x64: {  	s13 =	sor.u32 $0x300, s6;
	s6 =	sor.u32 $0x380, s6;
	vm0 =	vgt.f32 v19, v18;
	vm15 =	vgt.f32 v20, v61;
	vm3 =	vgt.f32 v22, v6;
	s30 =	sor.u32 $0x300, s7  }
0x65: {  	v2 =	vsel vm0, v19, v18;
	v18 =	vld [tilespmem:s6+$0x0];
	v3 =	vsel vm15, v20, v61;
	v1 =	vsel vm15, s1, v62;
	s31 =	sor.u32 $0x380, s7;
	s6 =	sadd.s32 @!p0 s2, s26;
	s7 =	smul.u32 @!p0 $0x2C00, s28  }
0x66: {  	v30 =	vld [tilespmem:s13+$0x0];
	vm1 =	vgt.f32 v23, v12;
	v6 =	vsel vm3, v22, v6;
	vm2 =	vgt.f32 v24, v13;
	s6 =	smul.u32 @!p0 $0xC3800, s6  }
0x67: {  	v27 =	vld [tilespmem:s14+$0x280];
	v12 =	vsel vm1, v23, v12;
	vm4 =	vgt.f32 v4, v6;
	v15 =	vsel vm1, s0, v15  }
0x68: {  	v13 =	vsel vm2, v24, v13;
	vm5 =	vgt.f32 v5, v12;
	v6 =	vsel vm4, v4, v6;
	s6 =	sadd.s32 @!p0 s7, s6  }
0x69: {  	v19 =	vld [tilespmem:s30+$0x0];
	vm7 =	vgt.f32 v28, v14;
	v16 =	vsel vm2, s0, v16;
	vm6 =	vgt.f32 v21, v13;
	s6 =	sshrl.u32 @!p0 s6, $0x3  }
0x6a: {  	v63 =	vld [tilespmem:s31+$0x0];
	v4 =	vsel vm5, v5, v12;
	v12 =	vsel vm7, v28, v14;
	v9 =	vsel vm7, s0, v9;
	s7 =	simm.s32 @!p0 $0x0;
	s6 =	sadd.s32 @!p0 s4, s6  }
0x6b: {  	v15 =	vsel vm5, s1, v15;
	v5 =	vsel vm6, v21, v13;
	vm8 =	vgt.f32 v30, v10;
	[tilespmem:s7], [sflag:$0x1] =	stream.linear.gather @!p0 [hbm4b:s6+s7], $0x2C00, $0x38;
	[tilespmem:$0x6880] =	vst v63  }
0x6c: {  	vm10 =	vgt.f32 v27, v12;
	vm9 =	vgt.f32 v18, v11;
	v10 =	vsel vm8, v30, v10;
	p0 =	sne.s32 s29, $0x46  }
.Ltmp5:
0x6d: {  	v12 =	vsel vm10, v27, v12;
	v7 =	vsel vm8, s0, v7;
	v11 =	vsel vm9, v18, v11;
	(pc) =	sbr.rel @p0 .LBB2_6-.Ltmp5, $4  }
0x6e: {  	vm11 =	vgt.f32 v19, v10;
	v13 =	vsel vm9, s0, v8;
	v8 =	vsel vm10, s1, v9  }
0x6f: {  	vm12 =	vgt.f32 v63, v11;
	v10 =	vsel vm11, v19, v10;
	v9 =	vsel vm11, s1, v7  }
0x70: {  	v11 =	vsel vm12, v63, v11;
	v7 =	vsel vm12, s1, v13;
	v13 =	vsel vm3, s0, v17  }
0x71: {  	v14 =	vsel vm4, s1, v13;
	v13 =	vsel vm6, s1, v16;
	v16 =	vsel vm0, s1, v29  }
0x72: {  	s0 =	sshll.u32 s25, $0xC  }
0x73: {  	s0 =	sshra.s32 s0, $0x2  }
0x74: {  	v17 =	vld [tilespmem:s0+$0x5800];
	_ =	sdelay $0x1  }
0x75: {  	v18 =	vld [tilespmem:s0+$0x5810];
	_ =	sdelay $0x2  }
0x76: {  	vm0 =	vgt.f32 v17, v2  }
0x77: {  	v17 =	vsel vm0, v17, v2  }
0x78: {  	vm1 =	vgt.f32 v18, v17  }
0x79: {  	v17 =	vsel vm1, v18, v17  }
0x7a: {  	(xrf0) =	vmax.scan.msk.f32 $0xffff, v17;
	_ =	sdelay $0x2  }
0x7b: {  	v18 =	vld [tilespmem:s0+$0x5880];
	_ =	sdelay $0x1  }
0x7c: {  	v19 =	vld [tilespmem:s0+$0x5890]  }
0x7d: {  	v21 =	vshll.u32 v16, $0x4;
	v22 =	vor.u32 $0x80000000, v0;
	v20, _, _ =	vpop (xrf0)  }
0x7e: {  	v23 =	vor.u32 $0x80018680, v0;
	v21 =	vxor.u32 v22, v21;
	v20 =	vbroadcast v20, $0xF  }
0x7f: {  	v24 =	vor.u32 $0x80018690, v0;
	v21 =	vsel vm0, v23, v21;
	vm11 =	vgt.f32 v18, v3  }
0x80: {  	v18 =	vsel vm11, v18, v3;
	vm2 =	veq.f32 v17, v20;
	v17 =	vsel vm1, v24, v21  }
0x81: {  	vm12 =	vgt.f32 v19, v18;
	v17 =	vnsel vm2, $0xC0000000, v17  }
0x82: {  	(xrf0) =	vmin.scan.msk.u32 $0xffff, v17;
	v17 =	vsel vm12, v19, v18  }
0x83: {  	(xrf0) =	vmax.scan.msk.f32 $0xffff, v17;
	_ =	sdelay $0x2  }
0x84: {  	v18 =	vld [tilespmem:s0+$0x5900];
	_ =	sdelay $0x1  }
0x85: {  	v45 =	vld [tilespmem:s0+$0x5910];
	v19, _, _ =	vpop (xrf0)  }
0x86: {  	v25 =	vshll.u32 v1, $0x4;
	v46, _, _ =	vpop (xrf0)  }
0x87: {  	v25 =	vxor.u32 v22, v25;
	v21 =	vbroadcast v46, $0xF  }
0x88: {  	v25 =	vsel vm11, v23, v25;
	vm13 =	vgt.f32 v18, v6  }
0x89: {  	v18 =	vsel vm13, v18, v6;
	vm14 =	veq.f32 v17, v21;
	v17 =	vsel vm12, v24, v25  }
0x8a: {  	vm15 =	vgt.f32 v45, v18;
	v17 =	vnsel vm14, $0xC0000000, v17  }
0x8b: {  	(xrf0) =	vmin.scan.msk.u32 $0xffff, v17;
	v17 =	vsel vm15, v45, v18  }
0x8c: {  	(xrf0) =	vmax.scan.msk.f32 $0xffff, v17;
	_ =	sdelay $0x2  }
0x8d: {  	v18 =	vld [tilespmem:s0+$0x5980];
	_ =	sdelay $0x1  }
0x8e: {  	v48 =	vld [tilespmem:s0+$0x5990];
	v47, _, _ =	vpop (xrf0)  }
0x8f: {  	v26 =	vshll.u32 v14, $0x4;
	v49, _, _ =	vpop (xrf0)  }
0x90: {  	v26 =	vxor.u32 v22, v26;
	v25 =	vbroadcast v49, $0xF  }
0x91: {  	v26 =	vsel vm13, v23, v26;
	vm4 =	vgt.f32 v18, v4  }
0x92: {  	v18 =	vsel vm4, v18, v4;
	vm5 =	veq.f32 v17, v25;
	v17 =	vsel vm15, v24, v26  }
0x93: {  	vm6 =	vgt.f32 v48, v18;
	v17 =	vnsel vm5, $0xC0000000, v17  }
0x94: {  	(xrf0) =	vmin.scan.msk.u32 $0xffff, v17;
	v17 =	vsel vm6, v48, v18  }
0x95: {  	(xrf0) =	vmax.scan.msk.f32 $0xffff, v17;
	_ =	sdelay $0x2  }
0x96: {  	v18 =	vld [tilespmem:s0+$0x5A00];
	_ =	sdelay $0x1  }
0x97: {  	v51 =	vld [tilespmem:s0+$0x5A10];
	v50, _, _ =	vpop (xrf0)  }
0x98: {  	v27 =	vshll.u32 v15, $0x4;
	v52, _, _ =	vpop (xrf0)  }
0x99: {  	v27 =	vxor.u32 v22, v27;
	v26 =	vbroadcast v52, $0xF  }
0x9a: {  	v27 =	vsel vm4, v23, v27;
	vm7 =	vgt.f32 v18, v5  }
0x9b: {  	v18 =	vsel vm7, v18, v5;
	vm8 =	veq.f32 v17, v26;
	v17 =	vsel vm6, v24, v27  }
0x9c: {  	vm9 =	vgt.f32 v51, v18;
	v17 =	vnsel vm8, $0xC0000000, v17  }
0x9d: {  	(xrf0) =	vmin.scan.msk.u32 $0xffff, v17;
	v17 =	vsel vm9, v51, v18  }
0x9e: {  	(xrf0) =	vmax.scan.msk.f32 $0xffff, v17;
	_ =	sdelay $0x2  }
0x9f: {  	v18 =	vld [tilespmem:s0+$0x5A80];
	_ =	sdelay $0x1  }
0xa0: {  	v54 =	vld [tilespmem:s0+$0x5A90];
	v53, _, _ =	vpop (xrf0)  }
0xa1: {  	v28 =	vshll.u32 v13, $0x4;
	v55, _, _ =	vpop (xrf0)  }
0xa2: {  	v28 =	vxor.u32 v22, v28;
	v27 =	vbroadcast v55, $0xF  }
0xa3: {  	v28 =	vsel vm7, v23, v28;
	vm10 =	vgt.f32 v18, v12  }
0xa4: {  	v18 =	vsel vm10, v18, v12;
	vm11 =	veq.f32 v17, v27;
	v17 =	vsel vm9, v24, v28  }
0xa5: {  	vm12 =	vgt.f32 v54, v18;
	v17 =	vnsel vm11, $0xC0000000, v17  }
0xa6: {  	(xrf0) =	vmin.scan.msk.u32 $0xffff, v17;
	v17 =	vsel vm12, v54, v18  }
0xa7: {  	(xrf0) =	vmax.scan.msk.f32 $0xffff, v17;
	_ =	sdelay $0x2  }
0xa8: {  	v18 =	vld [tilespmem:s0+$0x5B00];
	_ =	sdelay $0x1  }
0xa9: {  	v57 =	vld [tilespmem:s0+$0x5B10];
	v56, _, _ =	vpop (xrf0)  }
0xaa: {  	v29 =	vshll.u32 v8, $0x4;
	v58, _, _ =	vpop (xrf0)  }
0xab: {  	v29 =	vxor.u32 v22, v29;
	v28 =	vbroadcast v58, $0xF  }
0xac: {  	v29 =	vsel vm10, v23, v29;
	vm13 =	vgt.f32 v18, v10  }
0xad: {  	v18 =	vsel vm13, v18, v10;
	vm14 =	veq.f32 v17, v28;
	v17 =	vsel vm12, v24, v29  }
0xae: {  	vm15 =	vgt.f32 v57, v18;
	v17 =	vnsel vm14, $0xC0000000, v17  }
0xaf: {  	(xrf0) =	vmin.scan.msk.u32 $0xffff, v17;
	v17 =	vsel vm15, v57, v18  }
0xb0: {  	(xrf0) =	vmax.scan.msk.f32 $0xffff, v17;
	_ =	sdelay $0x2  }
0xb1: {  	v18 =	vld [tilespmem:s0+$0x5B80];
	_ =	sdelay $0x1  }
0xb2: {  	v60 =	vld [tilespmem:s0+$0x5B90];
	v59, _, _ =	vpop (xrf0)  }
0xb3: {  	v30 =	vshll.u32 v9, $0x4;
	v61, _, _ =	vpop (xrf0)  }
0xb4: {  	v30 =	vxor.u32 v22, v30;
	v29 =	vbroadcast v61, $0xF  }
0xb5: {  	v30 =	vsel vm13, v23, v30;
	vm4 =	vgt.f32 v18, v11  }
0xb6: {  	v18 =	vsel vm4, v18, v11;
	vm5 =	veq.f32 v17, v29;
	v17 =	vsel vm15, v24, v30  }
0xb7: {  	vm6 =	vgt.f32 v60, v18;
	v17 =	vnsel vm5, $0xC0000000, v17  }
0xb8: {  	(xrf0) =	vmin.scan.msk.u32 $0xffff, v17;
	v17 =	vsel vm6, v60, v18  }
0xb9: {  	(xrf0) =	vmax.scan.msk.f32 $0xffff, v17;
	_ =	sdelay $0x4  }
0xba: {  	v18, _, _ =	vpop (xrf0)  }
0xbb: {  	v63 =	vshll.u32 v7, $0x4;
	v62, _, _ =	vpop (xrf0)  }
0xbc: {  	v22 =	vxor.u32 v22, v63;
	v28 =	vbroadcast v62, $0xF  }
0xbd: {  	v22 =	vsel vm4, v23, v22  }
0xbe: {  	vm7 =	veq.f32 v17, v28;
	v17 =	vsel vm6, v24, v22  }
0xbf: {  	v17 =	vnsel vm7, $0xC0000000, v17  }
0xc0: {  	(v2sf) =	vpush v19, $0xF;
	(xrf0) =	vmin.scan.msk.u32 $0xffff, v17  }
0xc1: {  	(v2sf) =	vpush v47, $0xF  }
0xc2: {  	(v2sf) =	vpush v50, $0xF  }
0xc3: {  	(v2sf) =	vpush v53, $0xF  }
0xc4: {  	(v2sf) =	vpush v56, $0xF  }
0xc5: {  	(v2sf) =	vpush v59, $0xF  }
0xc6: {  	(v2sf) =	vpush v18, $0xF;
	v17, _, _ =	vpop (xrf0)  }
0xc7: {  	(v2sf) =	vpush v17, $0xF;
	_ =	sdelay $0x2  }
0xc8: {  	p0 =	sgt.s32 s25, $0x1;
	s0 =	simm.s32 $0x6810  }
0xc9: {  	s0 =	simm.s32 @!p0 $0x6800  }
0xca: {  	v17 =	vld [tilespmem:s0+$0x0]  }
0xcb: {  	s1 =	sshll.u32 s25, $0x3  }
0xcc: {  	s1 =	sand.u32 $0x8, s1  }
0xcd: {  	s7 =	sor.u32 $0x1, s1;
	s6 =	spop (v2sf);
	v18 =	vmov s1  }
0xce: {  	s21 =	sor.u32 $0x2, s1;
	s6 =	sxor.u32 $0x80000000, s6;
	s13 =	spop (v2sf);
	vm8 =	veq.s32 v18, v0;
	v18 =	vmov s7  }
0xcf: {  	s31 =	sor.u32 $0x3, s1;
	s13 =	sxor.u32 $0x80000000, s13;
	s30 =	spop (v2sf);
	vm9 =	veq.s32 v18, v0;
	v18 =	vmov s21;
	v17 =	vsel vm8, s6, v17  }
0xd0: {  	s9 =	sor.u32 $0x4, s1;
	s8 =	spop (v2sf);
	vm10 =	veq.s32 v18, v0;
	v18 =	vmov s31;
	s6 =	sxor.u32 $0x80000000, s30;
	v17 =	vsel vm9, s13, v17  }
0xd1: {  	s15 =	sor.u32 $0x5, s1;
	s14 =	spop (v2sf);
	vm11 =	veq.s32 v18, v0;
	v18 =	vmov s9;
	s13 =	sxor.u32 $0x80000000, s8;
	v17 =	vsel vm10, s6, v17  }
0xd2: {  	s18 =	sor.u32 $0x6, s1;
	s16 =	spop (v2sf);
	vm12 =	veq.s32 v18, v0;
	v18 =	vmov s15;
	s6 =	sxor.u32 $0x80000000, s14;
	v17 =	vsel vm11, s13, v17  }
0xd3: {  	s1 =	sor.u32 $0x7, s1;
	vm13 =	veq.s32 v18, v0;
	v18 =	vmov s18;
	s21 =	spop (v2sf);
	s13 =	sxor.u32 $0x80000000, s16;
	v17 =	vsel vm12, s6, v17  }
0xd4: {  	vm14 =	veq.s32 v18, v0;
	v18 =	vmov s1;
	s6 =	sxor.u32 $0x80000000, s21;
	v17 =	vsel vm13, s13, v17;
	s30 =	spop (v2sf)  }
0xd5: {  	vm15 =	veq.s32 v18, v0;
	v17 =	vsel vm14, s6, v17;
	s31 =	sxor.u32 $0x80000000, s30  }
0xd6: {  	v17 =	vsel vm15, s31, v17  }
0xd7: {  	[tilespmem:s0+$0x0] =	vst v17  }
.LBB2_6:
0xd8: {  	s0 =	simm.s32 $0x0  }
0xd9: {  	_ =	swait.ge [sflag:s20], $0x2C00;
	s1 =	simm.s32 $0x10;
	s13 =	sand.u32 $0x3C00, s0  }
0xda: {  	[sflag:s20] =	ssyncset.done $0x0;
	s31 =	sand.u32 $0x70, s1;
	s6 =	sadd.s32 $0x2C00, s13  }
0xdb: {  	[sflag:s20] =	ssyncadd.s32 $0xFFFFD400;
	s21 =	sadd.s32 $0x2C80, s13;
	s7 =	sor.u32 s31, s6  }
0xdc: {  	s29 =	sadd.s32 $0x1, s29;
	s15 =	sadd.s32 $0x2D00, s13;
	s8 =	sor.u32 s31, s21;
	v19 =	vld [tilespmem:s7+$0x0]  }
0xdd: {  	s14 =	simm.s32 $0x0;
	s16 =	sadd.s32 $0x2D80, s13;
	s9 =	sor.u32 s31, s15;
	v23 =	vld [tilespmem:s8+$0x0]  }
0xde: {  	p0 =	seq.s32 s29, $0x47;
	s14 =	sand.u32 $0x60, s14;
	s18 =	sor.u32 s31, s16;
	v17 =	vld [tilespmem:s9+$0x0]  }
0xdf: {  	s29 =	simm.s32 @p0 $0x0;
	s6 =	sor.u32 s14, s6;
	v18 =	vld [tilespmem:s18+$0x0]  }
0xe0: {  	p1 =	seq.s32 s29, $0x0;
	s1 =	sor.u32 s14, s21;
	v27 =	vld [tilespmem:s6+$0x0]  }
0xe1: {  	s15 =	sor.u32 s14, s15;
	v25 =	vpsel p1, $0xFF800000, v2;
	v2 =	vpsel p1, $0xFF800000, v3;
	v20 =	vpsel p1, $0xFF800000, v6;
	v3 =	vld [tilespmem:s1+$0x0]  }
0xe2: {  	s21 =	sadd.s32 $0x2E00, s13;
	s16 =	sor.u32 s14, s16;
	v22 =	vpsel p1, $0xFF800000, v5;
	v5 =	vpsel p1, $0xFF800000, v12;
	v12 =	vpsel p1, $0xFF800000, v10;
	v10 =	vld [tilespmem:s15+$0x0]  }
0xe3: {  	s8 =	sor.u32 s31, s21;
	v21 =	vpsel p1, $0xFF800000, v4;
	s9 =	smul.u32 $0x58, s29;
	v11 =	vpsel p1, $0xFF800000, v11;
	v28 =	vpsel p1, $0x0, v16;
	v26 =	vld [tilespmem:s16+$0x0]  }
0xe4: {  	v1 =	vpsel p1, $0x0, v1;
	v16 =	vpsel p1, $0x0, v14;
	v14 =	vpsel p1, $0x0, v15;
	s6 =	sor.u32 s14, s21;
	s18 =	sadd.s32 $0x2E80, s13;
	v24 =	vld [tilespmem:s8+$0x0]  }
0xe5: {  	v13 =	vpsel p1, $0x0, v13;
	v15 =	vpsel p1, $0x0, v8;
	v4 =	vpsel p1, $0x0, v9;
	s15 =	simm.s32 $0x30;
	v8 =	vld [tilespmem:s6+$0x0];
	s21 =	sor.u32 s31, s18;
	s30 =	sor.u32 $0x1, s9  }
0xe6: {  	v6 =	vpsel p1, $0x0, v7;
	s6 =	sor.u32 s14, s18;
	s18 =	sadd.s32 $0x2F00, s13;
	v7 =	vld [tilespmem:s21+$0x0];
	s1 =	sadd.s32 $0xFFFFFFFF, s30;
	vm1 =	vgt.f32 v27, v25;
	vm2 =	vgt.f32 v3, v2  }
.LBB2_7:
0xe7: {  	p1 =	sne.s32 s15, $0x570;
	v9 =	vsel vm1, v27, v25;
	v2 =	vsel vm2, v3, v2;
	v1 =	vsel vm2, s1, v1;
	v3 =	vld [tilespmem:s6+$0x0];
	s6 =	sor.u32 s14, s18;
	s7 =	sadd.s32 $0x2F80, s13  }
0xe8: {  	v28 =	vsel vm1, s1, v28;
	s0 =	sadd.s32 $0x100, s0;
	s16 =	smov.u32 s30;
	v27 =	vld [tilespmem:s6+$0x0];
	s6 =	sor.u32 s14, s7;
	vm0 =	vgt.f32 v19, v9;
	vm1 =	vgt.f32 v23, v2  }
0xe9: {  	s13 =	sand.u32 $0x3C00, s0;
	v29 =	vld [tilespmem:s6+$0x0];
	v25 =	vsel vm0, v19, v9;
	v2 =	vsel vm1, v23, v2;
	v1 =	vsel vm1, s30, v1;
	s6 =	sor.u32 s31, s18  }
0xea: {  	s18 =	sadd.s32 $0x2C00, s13;
	vm1 =	vgt.f32 v10, v20;
	vm2 =	vgt.f32 v26, v21;
	vm3 =	vgt.f32 v8, v22;
	v9 =	vld [tilespmem:s6+$0x0];
	s6 =	sor.u32 s31, s7;
	s31 =	sand.u32 $0x70, s15  }
0xeb: {  	s7 =	sadd.s32 $0x2C80, s13;
	v10 =	vsel vm1, v10, v20;
	v21 =	vsel vm2, v26, v21;
	s14 =	sor.u32 s31, s18;
	v8 =	vsel vm3, v8, v22;
	v26 =	vld [tilespmem:s6+$0x0]  }
0xec: {  	s6 =	sadd.s32 $0x2D00, s13;
	vm4 =	vgt.f32 v17, v10;
	vm5 =	vgt.f32 v18, v21;
	v19 =	vld [tilespmem:s14+$0x0];
	s14 =	sor.u32 s31, s7;
	vm6 =	vgt.f32 v24, v8  }
0xed: {  	s21 =	sadd.s32 $0xFFFFFFF0, s15;
	s8 =	sadd.s32 $0x2D80, s13;
	s9 =	sor.u32 s31, s6;
	v20 =	vsel vm4, v17, v10;
	v21 =	vsel vm5, v18, v21;
	v23 =	vld [tilespmem:s14+$0x0];
	v22 =	vsel vm6, v24, v8  }
0xee: {  	vm7 =	vgt.f32 v3, v5;
	s14 =	sand.u32 $0x60, s21;
	vm8 =	vgt.f32 v27, v12;
	v17 =	vld [tilespmem:s9+$0x0];
	s9 =	sor.u32 s31, s8;
	vm9 =	vgt.f32 v29, v11  }
0xef: {  	v5 =	vsel vm7, v3, v5;
	s18 =	sor.u32 s14, s18;
	v8 =	vsel vm8, v27, v12;
	v18 =	vld [tilespmem:s9+$0x0];
	v10 =	vsel vm9, v29, v11  }
0xf0: {  	s7 =	sor.u32 s14, s7;
	vm10 =	vgt.f32 v7, v5;
	s9 =	sadd.s32 $0x2E00, s13;
	vm11 =	vgt.f32 v9, v8;
	v27 =	vld [tilespmem:s18+$0x0];
	vm12 =	vgt.f32 v26, v10  }
0xf1: {  	v5 =	vsel vm10, v7, v5;
	v12 =	vsel vm11, v9, v8;
	v3 =	vld [tilespmem:s7+$0x0];
	s7 =	sor.u32 s31, s9;
	v11 =	vsel vm12, v26, v10  }
.Ltmp6:
0xf2: {  	s6 =	sor.u32 s14, s6;
	v4 =	vsel vm8, s1, v4;
	v7 =	vsel vm7, s1, v15;
	v6 =	vsel vm9, s1, v6;
	v24 =	vld [tilespmem:s7+$0x0];
	(pc) =	sbr.rel @p1 .LBB2_7-.Ltmp6, $4  }
0xf3: {  	v15 =	vsel vm10, s30, v7;
	v4 =	vsel vm11, s30, v4;
	v6 =	vsel vm12, s30, v6;
	v10 =	vld [tilespmem:s6+$0x0];
	s6 =	sor.u32 s14, s8  }
0xf4: {  	v13 =	vsel vm3, s1, v13;
	v7 =	vsel vm1, s1, v16;
	v9 =	vsel vm2, s1, v14;
	s30 =	sadd.s32 $0x2, s30;
	s7 =	sadd.s32 $0x2E80, s13;
	v26 =	vld [tilespmem:s6+$0x0];
	s6 =	sor.u32 s14, s9  }
0xf5: {  	v13 =	vsel vm6, s16, v13;
	v16 =	vsel vm4, s16, v7;
	v14 =	vsel vm5, s16, v9;
	s1 =	sadd.s32 $0xFFFFFFFF, s30;
	s8 =	sor.u32 s31, s7;
	v8 =	vld [tilespmem:s6+$0x0]  }
0xf6: {  	v28 =	vsel vm0, s16, v28;
	s15 =	sadd.s32 $0x20, s15;
	s18 =	sadd.s32 $0x2F00, s13;
	vm1 =	vgt.f32 v27, v25;
	s6 =	sor.u32 s14, s7;
	vm2 =	vgt.f32 v3, v2;
	v7 =	vld [tilespmem:s8+$0x0]  }
0xf7: {  	s28 =	sadd.s32 $0x1, s28  }
0xf8: {  	s7 =	simm.s32 $0x1;
	p2 =	seq.s32 s28, $0x47  }
0xf9: {  	s7 =	simm.s32 @!p2 $0x0  }
0xfa: {  	v9 =	vsel vm1, v27, v25;
	s26 =	sadd.s32 s7, s26  }
0xfb: {  	s0 =	sor.u32 s14, s18;
	v3 =	vsel vm2, v3, v2;
	v1 =	vsel vm2, s1, v1;
	v59 =	vld [tilespmem:s6+$0x0];
	v28 =	vsel vm1, s1, v28;
	s28 =	simm.s32 @p2 $0x0;
	p1 =	sgt.s32 s26, $0x3  }
0xfc: {  	s15 =	sadd.s32 $0x2F80, s13;
	vm0 =	vgt.f32 v19, v9;
	v60 =	vld [tilespmem:s0+$0x0];
	vm15 =	vgt.f32 v23, v3;
	vm1 =	vgt.f32 v10, v20;
	s0 =	sadd.s32 @!p1 s2, s26;
	s6 =	smul.u32 @!p1 $0x2C00, s28  }
0xfd: {  	s16 =	sor.u32 s14, s15;
	v2 =	vsel vm0, v19, v9;
	v3 =	vsel vm15, v23, v3;
	v1 =	vsel vm15, s30, v1;
	s0 =	smul.u32 @!p1 $0xC3800, s0  }
0xfe: {  	v19 =	vld [tilespmem:s16+$0x0];
	vm2 =	vgt.f32 v26, v21;
	v9 =	vsel vm1, v10, v20;
	vm3 =	vgt.f32 v8, v22  }
0xff: {  	s21 =	sor.u32 s31, s18;
	v62 =	vsel vm2, v26, v21;
	vm4 =	vgt.f32 v17, v9;
	v8 =	vsel vm3, v8, v22;
	s0 =	sadd.s32 @!p1 s6, s0  }
0x100: {  	v61 =	vld [tilespmem:s21+$0x0];
	s31 =	sor.u32 s31, s15;
	vm5 =	vgt.f32 v18, v62;
	v10 =	vsel vm4, v17, v9;
	v13 =	vsel vm3, s1, v13;
	s0 =	sshrl.u32 @!p1 s0, $0x3  }
0x101: {  	v63 =	vld [tilespmem:s31+$0x0];
	vm6 =	vgt.f32 v24, v8;
	v9 =	vsel vm5, v18, v62;
	vm7 =	vgt.f32 v59, v5;
	s7 =	simm.s32 @!p1 $0x2C00;
	s6 =	simm.s32 @!p1 $0x0;
	s0 =	sadd.s32 @!p1 s4, s0  }
0x102: {  	v8 =	vsel vm6, v24, v8;
	vm8 =	vgt.f32 v60, v12;
	v5 =	vsel vm7, v59, v5;
	[tilespmem:s7], [sflag:$0x2] =	stream.linear.gather @!p1 [hbm4b:s0+s6], $0x2C00, $0x38;
	[tilespmem:$0x6880] =	vst v63  }
0x103: {  	v13 =	vsel vm6, s30, v13;
	vm9 =	vgt.f32 v19, v11;
	v17 =	vsel vm8, v60, v12;
	s0 =	simm.s32 $0x1  }
0x104: {  	vm10 =	vgt.f32 v7, v5;
	v4 =	vsel vm8, s1, v4;
	v18 =	vsel vm9, v19, v11;
	s0 =	simm.s32 @!p0 $0x0;
	p0 =	sne.s32 s29, $0x46  }
.Ltmp7:
0x105: {  	vm11 =	vgt.f32 v61, v17;
	v12 =	vsel vm10, v7, v5;
	v7 =	vsel vm7, s1, v15;
	(pc) =	sbr.rel @p0 .LBB2_10-.Ltmp7, $4  }
0x106: {  	v15 =	vsel vm9, s1, v6;
	vm12 =	vgt.f32 v63, v18;
	v11 =	vsel vm11, v61, v17  }
0x107: {  	v7 =	vsel vm10, s30, v7;
	v6 =	vsel vm11, s30, v4;
	v5 =	vsel vm12, v63, v18  }
0x108: {  	v4 =	vsel vm12, s30, v15;
	v15 =	vsel vm1, s1, v16;
	v16 =	vsel vm2, s1, v14  }
0x109: {  	v14 =	vsel vm4, s30, v15;
	v15 =	vsel vm5, s30, v16;
	v16 =	vsel vm0, s30, v28;
	s25 =	sadd.s32 s0, s25  }
0x10a: {  	s0 =	sshll.u32 s25, $0xC  }
0x10b: {  	s0 =	sshra.s32 s0, $0x2  }
0x10c: {  	v17 =	vld [tilespmem:s0+$0x5800];
	_ =	sdelay $0x1  }
0x10d: {  	v18 =	vld [tilespmem:s0+$0x5810];
	_ =	sdelay $0x2  }
0x10e: {  	vm0 =	vgt.f32 v17, v2  }
0x10f: {  	v17 =	vsel vm0, v17, v2  }
0x110: {  	vm1 =	vgt.f32 v18, v17  }
0x111: {  	v17 =	vsel vm1, v18, v17  }
0x112: {  	(xrf0) =	vmax.scan.msk.f32 $0xffff, v17;
	_ =	sdelay $0x2  }
0x113: {  	v18 =	vld [tilespmem:s0+$0x5880];
	_ =	sdelay $0x1  }
0x114: {  	v19 =	vld [tilespmem:s0+$0x5890]  }
0x115: {  	v21 =	vshll.u32 v16, $0x4;
	v22 =	vor.u32 $0x80000000, v0;
	v20, _, _ =	vpop (xrf0)  }
0x116: {  	v23 =	vor.u32 $0x80018680, v0;
	v21 =	vxor.u32 v22, v21;
	v20 =	vbroadcast v20, $0xF  }
0x117: {  	v24 =	vor.u32 $0x80018690, v0;
	v21 =	vsel vm0, v23, v21;
	vm11 =	vgt.f32 v18, v3  }
0x118: {  	v18 =	vsel vm11, v18, v3;
	vm2 =	veq.f32 v17, v20;
	v17 =	vsel vm1, v24, v21  }
0x119: {  	vm12 =	vgt.f32 v19, v18;
	v17 =	vnsel vm2, $0xC0000000, v17  }
0x11a: {  	(xrf0) =	vmin.scan.msk.u32 $0xffff, v17;
	v17 =	vsel vm12, v19, v18  }
0x11b: {  	(xrf0) =	vmax.scan.msk.f32 $0xffff, v17;
	_ =	sdelay $0x2  }
0x11c: {  	v18 =	vld [tilespmem:s0+$0x5900];
	_ =	sdelay $0x1  }
0x11d: {  	v45 =	vld [tilespmem:s0+$0x5910];
	v19, _, _ =	vpop (xrf0)  }
0x11e: {  	v25 =	vshll.u32 v1, $0x4;
	v46, _, _ =	vpop (xrf0)  }
0x11f: {  	v25 =	vxor.u32 v22, v25;
	v21 =	vbroadcast v46, $0xF  }
0x120: {  	v25 =	vsel vm11, v23, v25;
	vm13 =	vgt.f32 v18, v10  }
0x121: {  	v18 =	vsel vm13, v18, v10;
	vm14 =	veq.f32 v17, v21;
	v17 =	vsel vm12, v24, v25  }
0x122: {  	vm15 =	vgt.f32 v45, v18;
	v17 =	vnsel vm14, $0xC0000000, v17  }
0x123: {  	(xrf0) =	vmin.scan.msk.u32 $0xffff, v17;
	v17 =	vsel vm15, v45, v18  }
0x124: {  	(xrf0) =	vmax.scan.msk.f32 $0xffff, v17;
	_ =	sdelay $0x2  }
0x125: {  	v18 =	vld [tilespmem:s0+$0x5980];
	_ =	sdelay $0x1  }
0x126: {  	v48 =	vld [tilespmem:s0+$0x5990];
	v47, _, _ =	vpop (xrf0)  }
0x127: {  	v26 =	vshll.u32 v14, $0x4;
	v49, _, _ =	vpop (xrf0)  }
0x128: {  	v26 =	vxor.u32 v22, v26;
	v25 =	vbroadcast v49, $0xF  }
0x129: {  	v26 =	vsel vm13, v23, v26;
	vm4 =	vgt.f32 v18, v9  }
0x12a: {  	v18 =	vsel vm4, v18, v9;
	vm5 =	veq.f32 v17, v25;
	v17 =	vsel vm15, v24, v26  }
0x12b: {  	vm6 =	vgt.f32 v48, v18;
	v17 =	vnsel vm5, $0xC0000000, v17  }
0x12c: {  	(xrf0) =	vmin.scan.msk.u32 $0xffff, v17;
	v17 =	vsel vm6, v48, v18  }
0x12d: {  	(xrf0) =	vmax.scan.msk.f32 $0xffff, v17;
	_ =	sdelay $0x2  }
0x12e: {  	v18 =	vld [tilespmem:s0+$0x5A00];
	_ =	sdelay $0x1  }
0x12f: {  	v51 =	vld [tilespmem:s0+$0x5A10];
	v50, _, _ =	vpop (xrf0)  }
0x130: {  	v27 =	vshll.u32 v15, $0x4;
	v52, _, _ =	vpop (xrf0)  }
0x131: {  	v27 =	vxor.u32 v22, v27;
	v26 =	vbroadcast v52, $0xF  }
0x132: {  	v27 =	vsel vm4, v23, v27;
	vm7 =	vgt.f32 v18, v8  }
0x133: {  	v18 =	vsel vm7, v18, v8;
	vm8 =	veq.f32 v17, v26;
	v17 =	vsel vm6, v24, v27  }
0x134: {  	vm9 =	vgt.f32 v51, v18;
	v17 =	vnsel vm8, $0xC0000000, v17  }
0x135: {  	(xrf0) =	vmin.scan.msk.u32 $0xffff, v17;
	v17 =	vsel vm9, v51, v18  }
0x136: {  	(xrf0) =	vmax.scan.msk.f32 $0xffff, v17;
	_ =	sdelay $0x2  }
0x137: {  	v18 =	vld [tilespmem:s0+$0x5A80];
	_ =	sdelay $0x1  }
0x138: {  	v54 =	vld [tilespmem:s0+$0x5A90];
	v53, _, _ =	vpop (xrf0)  }
0x139: {  	v28 =	vshll.u32 v13, $0x4;
	v55, _, _ =	vpop (xrf0)  }
0x13a: {  	v28 =	vxor.u32 v22, v28;
	v27 =	vbroadcast v55, $0xF  }
0x13b: {  	v28 =	vsel vm7, v23, v28;
	vm10 =	vgt.f32 v18, v12  }
0x13c: {  	v18 =	vsel vm10, v18, v12;
	vm11 =	veq.f32 v17, v27;
	v17 =	vsel vm9, v24, v28  }
0x13d: {  	vm12 =	vgt.f32 v54, v18;
	v17 =	vnsel vm11, $0xC0000000, v17  }
0x13e: {  	(xrf0) =	vmin.scan.msk.u32 $0xffff, v17;
	v17 =	vsel vm12, v54, v18  }
0x13f: {  	(xrf0) =	vmax.scan.msk.f32 $0xffff, v17;
	_ =	sdelay $0x2  }
0x140: {  	v18 =	vld [tilespmem:s0+$0x5B00];
	_ =	sdelay $0x1  }
0x141: {  	v57 =	vld [tilespmem:s0+$0x5B10];
	v56, _, _ =	vpop (xrf0)  }
0x142: {  	v29 =	vshll.u32 v7, $0x4;
	v58, _, _ =	vpop (xrf0)  }
0x143: {  	v29 =	vxor.u32 v22, v29;
	v28 =	vbroadcast v58, $0xF  }
0x144: {  	v29 =	vsel vm10, v23, v29;
	vm13 =	vgt.f32 v18, v11  }
0x145: {  	v18 =	vsel vm13, v18, v11;
	vm14 =	veq.f32 v17, v28;
	v17 =	vsel vm12, v24, v29  }
0x146: {  	vm15 =	vgt.f32 v57, v18;
	v17 =	vnsel vm14, $0xC0000000, v17  }
0x147: {  	(xrf0) =	vmin.scan.msk.u32 $0xffff, v17;
	v17 =	vsel vm15, v57, v18  }
0x148: {  	(xrf0) =	vmax.scan.msk.f32 $0xffff, v17;
	_ =	sdelay $0x2  }
0x149: {  	v18 =	vld [tilespmem:s0+$0x5B80];
	_ =	sdelay $0x1  }
0x14a: {  	v60 =	vld [tilespmem:s0+$0x5B90];
	v59, _, _ =	vpop (xrf0)  }
0x14b: {  	v30 =	vshll.u32 v6, $0x4;
	v61, _, _ =	vpop (xrf0)  }
0x14c: {  	v30 =	vxor.u32 v22, v30;
	v29 =	vbroadcast v61, $0xF  }
0x14d: {  	v30 =	vsel vm13, v23, v30;
	vm4 =	vgt.f32 v18, v5  }
0x14e: {  	v18 =	vsel vm4, v18, v5;
	vm5 =	veq.f32 v17, v29;
	v17 =	vsel vm15, v24, v30  }
0x14f: {  	vm6 =	vgt.f32 v60, v18;
	v17 =	vnsel vm5, $0xC0000000, v17  }
0x150: {  	(xrf0) =	vmin.scan.msk.u32 $0xffff, v17;
	v17 =	vsel vm6, v60, v18  }
0x151: {  	(xrf0) =	vmax.scan.msk.f32 $0xffff, v17;
	_ =	sdelay $0x4  }
0x152: {  	v18, _, _ =	vpop (xrf0)  }
0x153: {  	v63 =	vshll.u32 v4, $0x4;
	v62, _, _ =	vpop (xrf0)  }
0x154: {  	v22 =	vxor.u32 v22, v63;
	v28 =	vbroadcast v62, $0xF  }
0x155: {  	v22 =	vsel vm4, v23, v22  }
0x156: {  	vm7 =	veq.f32 v17, v28;
	v17 =	vsel vm6, v24, v22  }
0x157: {  	v17 =	vnsel vm7, $0xC0000000, v17  }
0x158: {  	(v2sf) =	vpush v19, $0xF;
	(xrf0) =	vmin.scan.msk.u32 $0xffff, v17  }
0x159: {  	(v2sf) =	vpush v47, $0xF  }
0x15a: {  	(v2sf) =	vpush v50, $0xF  }
0x15b: {  	(v2sf) =	vpush v53, $0xF  }
0x15c: {  	(v2sf) =	vpush v56, $0xF  }
0x15d: {  	(v2sf) =	vpush v59, $0xF  }
0x15e: {  	(v2sf) =	vpush v18, $0xF;
	v17, _, _ =	vpop (xrf0)  }
0x15f: {  	(v2sf) =	vpush v17, $0xF;
	_ =	sdelay $0x2  }
0x160: {  	p0 =	sgt.s32 s25, $0x1;
	s0 =	simm.s32 $0x6810  }
0x161: {  	s0 =	simm.s32 @!p0 $0x6800  }
0x162: {  	v17 =	vld [tilespmem:s0+$0x0]  }
0x163: {  	s1 =	sshll.u32 s25, $0x3  }
0x164: {  	s1 =	sand.u32 $0x8, s1  }
0x165: {  	s7 =	sor.u32 $0x1, s1;
	s21 =	sor.u32 $0x2, s1;
	s6 =	spop (v2sf);
	v18 =	vmov s1  }
0x166: {  	s31 =	sor.u32 $0x3, s1;
	s6 =	sxor.u32 $0x80000000, s6;
	s8 =	spop (v2sf);
	vm8 =	veq.s32 v18, v0;
	v18 =	vmov s7  }
0x167: {  	s13 =	sor.u32 $0x4, s1;
	s8 =	sxor.u32 $0x80000000, s8;
	s30 =	spop (v2sf);
	vm9 =	veq.s32 v18, v0;
	v18 =	vmov s21;
	v17 =	vsel vm8, s6, v17  }
0x168: {  	s15 =	sor.u32 $0x5, s1;
	s9 =	spop (v2sf);
	vm10 =	veq.s32 v18, v0;
	v18 =	vmov s31;
	s6 =	sxor.u32 $0x80000000, s30;
	v17 =	vsel vm9, s8, v17  }
0x169: {  	s18 =	sor.u32 $0x6, s1;
	s14 =	spop (v2sf);
	vm11 =	veq.s32 v18, v0;
	v18 =	vmov s13;
	s8 =	sxor.u32 $0x80000000, s9;
	v17 =	vsel vm10, s6, v17  }
0x16a: {  	s1 =	sor.u32 $0x7, s1;
	s16 =	spop (v2sf);
	vm12 =	veq.s32 v18, v0;
	v18 =	vmov s15;
	s6 =	sxor.u32 $0x80000000, s14;
	v17 =	vsel vm11, s8, v17  }
.Ltmp8:
0x16b: {  	vm13 =	veq.s32 v18, v0;
	v18 =	vmov s18;
	s21 =	spop (v2sf);
	s8 =	sxor.u32 $0x80000000, s16;
	v17 =	vsel vm12, s6, v17;
	(pc) =	sbr.rel .LBB2_10-.Ltmp8, $4  }
0x16c: {  	vm14 =	veq.s32 v18, v0;
	v18 =	vmov s1;
	s6 =	sxor.u32 $0x80000000, s21;
	v17 =	vsel vm13, s8, v17;
	s30 =	spop (v2sf)  }
0x16d: {  	vm15 =	veq.s32 v18, v0;
	v17 =	vsel vm14, s6, v17;
	s31 =	sxor.u32 $0x80000000, s30  }
0x16e: {  	v17 =	vsel vm15, s31, v17  }
0x16f: {  	[tilespmem:s0+$0x0] =	vst v17  }
.LBB2_12:
0x170: {  	_ =	sfence.sel $0x180000  }
0x171: {  	[bflag:$0x0] =	sbarrier.arrive $0xFFFF  }
0x172: {  	_ =	strace $0x90000047  }
0x173: {  	s0 =	stileid.u32;
	[bflag:$0x2] =	sbarrier.arrive $0xFFFF  }
0x174: {  	p0 =	sne.s32 s0, $0x0;
	s0 =	rddreg [dreg:$0x2]  }
0x175: {  	s0 =	sadd.s32 @!p0 $0x100000, s0  }
0x176: {  	[sflag:s0] =	ssyncadd.tile.s32 @!p0 $0x1;
	_ =	shalt  }
.Lfunc_end2:
_tile_overlayer_lowered:
.L_overlay_start_2:
0x177: {  	(tag) =	ssettag $0x2  }
0x178: {  	s0 =	rddreg [dreg:$0x0];
	s2 =	stileid.u32  }
0x179: {  	s1 =	rddreg [dreg:$0x1];
	p0 =	sne.s32 s2, $0x0  }
0x17a: {  	s3 =	rddreg [dreg:$0x2];
	[bflag:$0x3] =	sbarrier.arrive $0xFFFF;
	s2 =	simm.s32 @!p0 $0x1C04  }
0x17b: {  	[timem:s3], [sflag:s2] =	dma.local @!p0 [hbm:s0], s1  }
0x17c: {  	s0 =	simm.s32 @!p0 $0x4  }
0x17d: {  	_ =	swait.ge @!p0 [sflag:s0], s1  }
0x17e: {  	s1 =	ssub.s32 @!p0 $0x0, s1;
	[sflag:s0] =	ssyncset.done @!p0 $0x0  }
0x17f: {  	[sflag:s0] =	ssyncadd.s32 @!p0 s1  }
0x180: {  	[bflag:$0x3] =	sbarrier.arrive $0xFFFF  }
0x181: {  	_ =	shalt  }

</sc_bundles>
